<compile_context>
chip_gen: v7x
topology: tpu7x:2x2x1
jax: 0.10.2.dev20260603
libtpu: 0.0.44.dev20260713+nightly
codegen_flags: <defaults>
</compile_context>

<pallas_src>
import functools

import jax
import jax.numpy as jnp
from jax import lax
from jax.experimental import pallas as pl
from jax.experimental.pallas import tpu as pltpu
from jax.experimental.pallas import tpu_sc as plsc

N = 10000
E = 160000
D = 256
H = 128
NC = 2
NS = 16
C = 88
NB = 3
EPT = 10032
E2 = NS * EPT
NCHUNK = EPT // C
NG = NCHUNK // NB
RC = 80
NRCH = N // RC


def _sc_body(xcat, src2, dstp, z_agg, z_deg,
             agg, degp,
             idx_s0, idx_s1, idx_s2,
             idx_d0, idx_d1, idx_d2,
             rows0, rows1, rows2, deg_local,
             agg_sp,
             sg0, sg1, sg2, si0, si1, si2):
    idx_s = [idx_s0, idx_s1, idx_s2]
    idx_d = [idx_d0, idx_d1, idx_d2]
    rows = [rows0, rows1, rows2]
    sem_g = [sg0, sg1, sg2]
    sem_i = [si0, si1, si2]
    c = lax.axis_index("c")
    s = lax.axis_index("s")

    n_i = jnp.where(s < NRCH - (NRCH // NS) * NS, NRCH // NS + 1, NRCH // NS)

    def over_row_chunks(fn):
        def body(i, carry):
            fn(pl.ds(pl.multiple_of((s + NS * i) * RC, 8), RC))
            return carry

        lax.fori_loop(0, n_i, body, jnp.int32(0))

    zstage = rows0.at[pl.ds(0, RC)]
    pltpu.sync_copy(z_agg, zstage)
    pltpu.sync_copy(z_deg, deg_local)

    def zero_init(rs):
        pltpu.sync_copy(zstage, agg_sp.at[rs])

    over_row_chunks(zero_init)
    plsc.subcore_barrier()

    ones16 = jnp.ones((16,), jnp.float32)

    def idx_slices(chunk):
        base2 = pl.multiple_of(c * E2 + s * EPT + chunk * C, 8)
        based = pl.multiple_of(s * EPT + chunk * C, 8)
        return src2.at[pl.ds(base2, C)], dstp.at[pl.ds(based, C)]

    def fire_idx(chunk, k):
        ssrc, sdst = idx_slices(chunk)
        pltpu.async_copy(ssrc, idx_s[k], sem_i[k])
        pltpu.async_copy(sdst, idx_d[k], sem_i[k])

    def drain_idx(chunk, k):
        ssrc, sdst = idx_slices(chunk)
        pltpu.make_async_copy(ssrc, idx_s[k], sem_i[k]).wait()
        pltpu.make_async_copy(sdst, idx_d[k], sem_i[k]).wait()

    def fire_gather(k):
        pltpu.async_copy(xcat.at[idx_s[k]], rows[k], sem_g[k])

    def drain_gather(k):
        pltpu.make_async_copy(xcat.at[idx_s[k]], rows[k], sem_g[k]).wait()

    def process(k):
        pltpu.sync_copy(rows[k], agg_sp.at[idx_d[k]], add=True)
        for j in range(C // 16):
            plsc.addupdate_scatter(deg_local, [idx_d[k][pl.ds(j * 16, 16)]],
                                   ones16)

    for k in range(NB):
        ssrc0, sdst0 = idx_slices(k)
        pltpu.sync_copy(ssrc0, idx_s[k])
        pltpu.sync_copy(sdst0, idx_d[k])
        fire_gather(k)

    def group(g, carry):
        for k in range(NB):
            drain_gather(k)
            process(k)

            @pl.when(g < NG - 1)
            def _(k=k):
                fire_idx(NB * g + k + NB, k)

        @pl.when(g < NG - 1)
        def _():
            for k in range(NB):
                drain_idx(NB * g + k + NB, k)
                fire_gather(k)

        return carry

    lax.fori_loop(0, NG, group, jnp.int32(0))
    plsc.subcore_barrier()

    pltpu.sync_copy(deg_local, degp.at[c, s])

    def copy_out(rs):
        pltpu.sync_copy(agg_sp.at[rs], zstage)
        pltpu.sync_copy(zstage, agg.at[c, rs])

    over_row_chunks(copy_out)


def _sc_aggregate(x, src, dst):
    xcat = jnp.concatenate([x[:, :H], x[:, H:]], axis=0)
    pad = E2 - E
    srcp = jnp.concatenate([src, jnp.zeros((pad,), jnp.int32)])
    src2 = jnp.concatenate([srcp, srcp + N])
    dstp = jnp.concatenate([dst, jnp.full((pad,), N, jnp.int32)])
    z_agg = jnp.zeros((RC, H), jnp.float32)
    z_deg = jnp.zeros((N + 16,), jnp.float32)

    mesh = plsc.VectorSubcoreMesh(core_axis_name="c", subcore_axis_name="s")
    f = pl.kernel(
        _sc_body,
        out_type=(
            jax.ShapeDtypeStruct((NC, N, H), jnp.float32),
            jax.ShapeDtypeStruct((NC, NS, N + 16), jnp.float32),
        ),
        mesh=mesh,
        compiler_params=pltpu.CompilerParams(needs_layout_passes=False),
        scratch_types=(
            [pltpu.VMEM((C,), jnp.int32)] * (2 * NB)
            + [pltpu.VMEM((C, H), jnp.float32)] * NB
            + [
                pltpu.VMEM((N + 16,), jnp.float32),
                pltpu.VMEM_SHARED((N + 8, H), jnp.float32),
            ]
            + [pltpu.SemaphoreType.DMA] * (2 * NB)
        ),
        name="sage_sc_aggregate",
    )
    return f(xcat, src2, dstp, z_agg, z_deg)


R = 1000


def _tc_body(x, aa, ab, dp, Wl, bl, Wr, Wa, ba, W1, b1, W2, b2, W3p, b3p,
             out):
    deg = jnp.sum(dp[...], axis=1, keepdims=True) * 0.5
    inv = 1.0 / jnp.maximum(deg, 1.0)
    mean = jnp.concatenate([aa[...] * inv, ab[...] * inv], axis=1)
    h = (jnp.dot(mean, Wl[...], preferred_element_type=jnp.float32)
         + jnp.dot(x[...], Wr[...], preferred_element_type=jnp.float32)
         + bl[...])
    h = jnp.maximum(h, 0.0)
    h = jnp.maximum(jnp.dot(h, Wa[...], preferred_element_type=jnp.float32)
                    + ba[...], 0.0)
    h = jnp.maximum(jnp.dot(h, W1[...], preferred_element_type=jnp.float32)
                    + b1[...], 0.0)
    h = jnp.maximum(jnp.dot(h, W2[...], preferred_element_type=jnp.float32)
                    + b2[...], 0.0)
    out[...] = (jnp.dot(h, W3p[...], preferred_element_type=jnp.float32)
                + b3p[...])


def _tc_dense(x, aa, ab, degt, Wl, bl, Wr, Wa, ba, W1, b1, W2, b2, W3, b3):
    W3p = jnp.pad(W3, ((0, 0), (0, 125)))
    b3p = jnp.pad(b3, (0, 125))
    nblk = N // R

    def row_spec(cols):
        return pl.BlockSpec((R, cols), lambda i: (i, 0))

    def full_spec(arr):
        nd = arr.ndim
        return pl.BlockSpec(arr.shape, (lambda n: (lambda i: (0,) * n))(nd))

    weights = (Wl, bl, Wr, Wa, ba, W1, b1, W2, b2, W3p, b3p)
    grid_spec = pl.GridSpec(
        grid=(nblk,),
        in_specs=[row_spec(D), row_spec(H), row_spec(H),
                  row_spec(NC * NS)] + [full_spec(w) for w in weights],
        out_specs=row_spec(H),
    )
    return pl.pallas_call(
        _tc_body,
        grid_spec=grid_spec,
        out_shape=jax.ShapeDtypeStruct((N, H), jnp.float32),
    )(x, aa, ab, degt, *weights)


@jax.jit
def kernel(x, edge_index, W_l, b_l, W_r, W_a, b_a, W_1, b_1, W_2, b_2, W_3,
           b_3):
    src = edge_index[0]
    dst = edge_index[1]
    agg, degp = _sc_aggregate(x, src, dst)
    degt = degp.reshape(NC * NS, N + 16)[:, :N].T
    out = _tc_dense(x, agg[0], agg[1], degt, W_l, b_l, W_r, W_a,
                    b_a, W_1, b_1, W_2, b_2, W_3, b_3)
    return out[:, :3]

# --- scband reference (transcript-rebuilt; emitter-appended) ---
"""Pipeline reference for scband-smaller-net-63402307224408 (READ-ONLY COPY).

The authoritative reference and input builder live on the scoring server;
editing this copy changes nothing except your own understanding.
"""

import jax, jax.numpy as jnp
import numpy as np

N = 10000
E = 160000
D = 256

def _winit(key, fan_in, fan_out):
    return jax.random.normal(key, (fan_in, fan_out), dtype=jnp.float32) * (1.0 / np.sqrt(fan_in))

def setup_inputs(seed: int = 0):
    key = jax.random.key(seed)
    ks = jax.random.split(key, 16)
    inp = {}
    inp['x'] = jax.random.normal(ks[0], (N, D), dtype=jnp.float32)
    inp['edge_index'] = jax.random.randint(ks[1], (2, E), 0, N, dtype=jnp.int32)
    # SAGEConv(256, 256): lin_l acts on aggregated neighbors (with bias), lin_r on root (no bias)
    inp['W_l'] = _winit(ks[2], D, D)
    inp['b_l'] = jnp.zeros((D,), dtype=jnp.float32)
    inp['W_r'] = _winit(ks[3], D, D)
    # densea: 256 -> 128
    inp['W_a'] = _winit(ks[4], 256, 128)
    inp['b_a'] = jnp.zeros((128,), dtype=jnp.float32)
    # dense1: 128 -> 64
    inp['W_1'] = _winit(ks[5], 128, 64)
    inp['b_1'] = jnp.zeros((64,), dtype=jnp.float32)
    # dense2: 64 -> 32
    inp['W_2'] = _winit(ks[6], 64, 32)
    inp['b_2'] = jnp.zeros((32,), dtype=jnp.float32)
    # dense3: 32 -> 3
    inp['W_3'] = _winit(ks[7], 32, 3)
    inp['b_3'] = jnp.zeros((3,), dtype=jnp.float32)
    return inp

def reference(x, edge_index, W_l, b_l, W_r, W_a, b_a, W_1, b_1, W_2, b_2, W_3, b_3):
    src = edge_index[0]
    dst = edge_index[1]
    # SAGEConv with mean aggregation: gather source features, scatter-mean to destinations
    msgs = jnp.take(x, src, axis=0)  # gather [E, D]
    agg = jax.ops.segment_sum(msgs, dst, num_segments=N)  # scatter-add [N, D]
    deg = jax.ops.segment_sum(jnp.ones((msgs.shape[0], 1), dtype=x.dtype), dst, num_segments=N)
    mean = agg / jnp.clip(deg, 1.0, None)
    h = mean @ W_l + b_l + x @ W_r  # lin_l(agg) + lin_r(x)
    h = jax.nn.relu(h)
    h = jax.nn.relu(h @ W_a + b_a)
    h = jax.nn.relu(h @ W_1 + b_1)
    h = jax.nn.relu(h @ W_2 + b_2)
    h = h @ W_3 + b_3
    return h

if __name__ == "__main__":
    import jax
    _d = setup_inputs()
    print(jax.jit(kernel)(*tuple(_d.values())))

</pallas_src>

<mosaic_0001>
#map = affine_map<(d0, d1) -> (0, 0)>
#map1 = affine_map<(d0, d1) -> (0)>
#map2 = affine_map<(d0, d1) -> (0, 0, 0)>
module attributes {stable_mosaic.version = 14 : i64} {
  func.func @sage_sc_aggregate(%arg0: i32, %arg1: i32, %arg2: memref<20000x128xf32, #tpu.memory_space<hbm>>, %arg3: memref<321024xi32, #tpu.memory_space<hbm>>, %arg4: memref<160512xi32, #tpu.memory_space<hbm>>, %arg5: memref<80x128xf32, #tpu.memory_space<hbm>>, %arg6: memref<10016xf32, #tpu.memory_space<hbm>>, %arg7: memref<2x10000x128xf32, #tpu.memory_space<hbm>>, %arg8: memref<2x16x10016xf32, #tpu.memory_space<hbm>>, %arg9: memref<88xi32, #tpu.memory_space<vmem>>, %arg10: memref<88xi32, #tpu.memory_space<vmem>>, %arg11: memref<88xi32, #tpu.memory_space<vmem>>, %arg12: memref<88xi32, #tpu.memory_space<vmem>>, %arg13: memref<88xi32, #tpu.memory_space<vmem>>, %arg14: memref<88xi32, #tpu.memory_space<vmem>>, %arg15: memref<88x128xf32, #tpu.memory_space<vmem>>, %arg16: memref<88x128xf32, #tpu.memory_space<vmem>>, %arg17: memref<88x128xf32, #tpu.memory_space<vmem>>, %arg18: memref<10016xf32, #tpu.memory_space<vmem>>, %arg19: memref<10008x128xf32, #tpu.memory_space<vmem_shared>>, %arg20: memref<!tpu.dma_semaphore, #tpu.memory_space<semaphore_mem>>, %arg21: memref<!tpu.dma_semaphore, #tpu.memory_space<semaphore_mem>>, %arg22: memref<!tpu.dma_semaphore, #tpu.memory_space<semaphore_mem>>, %arg23: memref<!tpu.dma_semaphore, #tpu.memory_space<semaphore_mem>>, %arg24: memref<!tpu.dma_semaphore, #tpu.memory_space<semaphore_mem>>, %arg25: memref<!tpu.dma_semaphore, #tpu.memory_space<semaphore_mem>>) attributes {dimension_semantics = [#tpu.dimension_semantics<core_parallel>, #tpu.dimension_semantics<subcore_parallel>], iteration_bounds = array<i64: 2, 16>, scalar_prefetch = 0 : i64, scratch_operands = 17 : i64, tpu.core_type = #tpu.core_type<sc_vector_subcore>, window_params = [{transform_indices = #map}, {transform_indices = #map1}, {transform_indices = #map1}, {transform_indices = #map}, {transform_indices = #map1}, {transform_indices = #map2}, {transform_indices = #map2}]} {
    %lt3A = arith.constant 13 : i32
    %lt3A_0 = arith.cmpi slt, %arg1, %lt3A : i32
    %jit3A = arith.constant 8 : i32
    %jit3A_1 = arith.constant 7 : i32
    %select_n3A = arith.select %lt3A_0, %jit3A, %jit3A_1 : i32
    "tpu.region"() ({
      %run_scoped3A = tpu.sem_alloc : memref<!tpu.dma_semaphore, #tpu.memory_space<semaphore_mem>>
      %dma_start3A_72 = arith.constant 0 : i32
      %dma_start3A_73 = arith.constant 0 : i32
      %dma_start3A_74 = tpu.memref_slice %arg15[%dma_start3A_72, %dma_start3A_73] : memref<88x128xf32, #tpu.memory_space<vmem>> -> memref<80x128xf32, #tpu.memory_space<vmem>>
      %dma_start3A_75 = arith.constant 0 : i32
      %dma_start3A_76 = arith.constant 0 : i32
      %dma_start3A_77 = tpu.memref_slice %arg15[%dma_start3A_75, %dma_start3A_76] : memref<88x128xf32, #tpu.memory_space<vmem>> -> memref<80x128xf32, #tpu.memory_space<vmem>>
      tpu.enqueue_dma source(%arg5 : memref<80x128xf32, #tpu.memory_space<hbm>>) target(%dma_start3A_77 : memref<80x128xf32, #tpu.memory_space<vmem>>) target_semaphore(%run_scoped3A : memref<!tpu.dma_semaphore, #tpu.memory_space<semaphore_mem>>)
      %dma_wait3A = arith.constant 0 : i32
      %dma_wait3A_78 = arith.constant 0 : i32
      %dma_wait3A_79 = tpu.memref_slice %arg15[%dma_wait3A, %dma_wait3A_78] : memref<88x128xf32, #tpu.memory_space<vmem>> -> memref<80x128xf32, #tpu.memory_space<vmem>>
      %dma_wait3A_80 = arith.constant 0 : i32
      %dma_wait3A_81 = arith.constant 0 : i32
      %dma_wait3A_82 = tpu.memref_slice %arg15[%dma_wait3A_80, %dma_wait3A_81] : memref<88x128xf32, #tpu.memory_space<vmem>> -> memref<80x128xf32, #tpu.memory_space<vmem>>
      tpu.wait_dma2 semaphore(%run_scoped3A : memref<!tpu.dma_semaphore, #tpu.memory_space<semaphore_mem>>) src(%arg5 : memref<80x128xf32, #tpu.memory_space<hbm>>) dst(%dma_wait3A_82 : memref<80x128xf32, #tpu.memory_space<vmem>>)
      tpu.yield
    }) : () -> ()
    "tpu.region"() ({
      %run_scoped3A = tpu.sem_alloc : memref<!tpu.dma_semaphore, #tpu.memory_space<semaphore_mem>>
      tpu.enqueue_dma source(%arg6 : memref<10016xf32, #tpu.memory_space<hbm>>) target(%arg18 : memref<10016xf32, #tpu.memory_space<vmem>>) target_semaphore(%run_scoped3A : memref<!tpu.dma_semaphore, #tpu.memory_space<semaphore_mem>>)
      tpu.wait_dma2 semaphore(%run_scoped3A : memref<!tpu.dma_semaphore, #tpu.memory_space<semaphore_mem>>) src(%arg6 : memref<10016xf32, #tpu.memory_space<hbm>>) dst(%arg18 : memref<10016xf32, #tpu.memory_space<vmem>>)
      tpu.yield
    }) : () -> ()
    %while3A = arith.constant 0 : i32
    %while3A_2 = arith.constant 0 : i32
    %while3A_3 = arith.subi %select_n3A, %while3A_2 : i32
    %while3A_4 = arith.addi %while3A_2, %while3A_3 : i32
    %while3A_5 = arith.constant 1 : i32
    %while3A_6 = arith.divsi %while3A_3, %while3A_5 : i32
    %while3A_7 = arith.muli %while3A_6, %while3A_5 : i32
    %while3A_8 = arith.addi %while3A_2, %while3A_7 : i32
    %while3A_9 = arith.constant 1 : i32
    scf.for %while3A_72 = %while3A_2 to %while3A_8 step %while3A_9  : i32 {
      %mul3A_73 = arith.constant 16 : i32
      %mul3A_74 = arith.muli %mul3A_73, %while3A_72 : i32
      %add3A_75 = arith.addi %arg1, %mul3A_74 : i32
      %mul3A_76 = arith.constant 80 : i32
      %mul3A_77 = arith.muli %add3A_75, %mul3A_76 : i32
      %multiple_of3A_78 = tpu.assume_multiple %mul3A_77, 8 : i32
      "tpu.region"() ({
        %run_scoped3A = tpu.sem_alloc : memref<!tpu.dma_semaphore, #tpu.memory_space<semaphore_mem>>
        %dma_start3A_79 = arith.constant 0 : i32
        %dma_start3A_80 = arith.constant 0 : i32
        %dma_start3A_81 = tpu.memref_slice %arg15[%dma_start3A_79, %dma_start3A_80] : memref<88x128xf32, #tpu.memory_space<vmem>> -> memref<80x128xf32, #tpu.memory_space<vmem>>
        %dma_start3A_82 = arith.constant 0 : i32
        %dma_start3A_83 = tpu.memref_slice %arg19[%multiple_of3A_78, %dma_start3A_82] : memref<10008x128xf32, #tpu.memory_space<vmem_shared>> -> memref<80x128xf32, #tpu.memory_space<vmem_shared>>
        %dma_start3A_84 = arith.constant 0 : i32
        %dma_start3A_85 = tpu.memref_slice %arg19[%multiple_of3A_78, %dma_start3A_84] : memref<10008x128xf32, #tpu.memory_space<vmem_shared>> -> memref<80x128xf32, #tpu.memory_space<vmem_shared>>
        %dma_start3A_86 = arith.constant 0 : i32
        %dma_start3A_87 = arith.constant 0 : i32
        %dma_start3A_88 = tpu.memref_slice %arg15[%dma_start3A_86, %dma_start3A_87] : memref<88x128xf32, #tpu.memory_space<vmem>> -> memref<80x128xf32, #tpu.memory_space<vmem>>
        tpu.enqueue_dma source(%dma_start3A_88 : memref<80x128xf32, #tpu.memory_space<vmem>>) target(%dma_start3A_85 : memref<80x128xf32, #tpu.memory_space<vmem_shared>>) target_semaphore(%run_scoped3A : memref<!tpu.dma_semaphore, #tpu.memory_space<semaphore_mem>>)
        %dma_wait3A = arith.constant 0 : i32
        %dma_wait3A_89 = arith.constant 0 : i32
        %dma_wait3A_90 = tpu.memref_slice %arg15[%dma_wait3A, %dma_wait3A_89] : memref<88x128xf32, #tpu.memory_space<vmem>> -> memref<80x128xf32, #tpu.memory_space<vmem>>
        %dma_wait3A_91 = arith.constant 0 : i32
        %dma_wait3A_92 = tpu.memref_slice %arg19[%multiple_of3A_78, %dma_wait3A_91] : memref<10008x128xf32, #tpu.memory_space<vmem_shared>> -> memref<80x128xf32, #tpu.memory_space<vmem_shared>>
        %dma_wait3A_93 = arith.constant 0 : i32
        %dma_wait3A_94 = tpu.memref_slice %arg19[%multiple_of3A_78, %dma_wait3A_93] : memref<10008x128xf32, #tpu.memory_space<vmem_shared>> -> memref<80x128xf32, #tpu.memory_space<vmem_shared>>
        %dma_wait3A_95 = arith.constant 0 : i32
        %dma_wait3A_96 = arith.constant 0 : i32
        %dma_wait3A_97 = tpu.memref_slice %arg15[%dma_wait3A_95, %dma_wait3A_96] : memref<88x128xf32, #tpu.memory_space<vmem>> -> memref<80x128xf32, #tpu.memory_space<vmem>>
        tpu.wait_dma2 semaphore(%run_scoped3A : memref<!tpu.dma_semaphore, #tpu.memory_space<semaphore_mem>>) src(%dma_wait3A_97 : memref<80x128xf32, #tpu.memory_space<vmem>>) dst(%dma_wait3A_94 : memref<80x128xf32, #tpu.memory_space<vmem_shared>>)
        tpu.yield
      }) : () -> ()
    }
    %while3A_10 = arith.constant 1 : i32
    scf.for %while3A_72 = %while3A_8 to %while3A_4 step %while3A_10  : i32 {
      %mul3A_73 = arith.constant 16 : i32
      %mul3A_74 = arith.muli %mul3A_73, %while3A_72 : i32
      %add3A_75 = arith.addi %arg1, %mul3A_74 : i32
      %mul3A_76 = arith.constant 80 : i32
      %mul3A_77 = arith.muli %add3A_75, %mul3A_76 : i32
      %multiple_of3A_78 = tpu.assume_multiple %mul3A_77, 8 : i32
      "tpu.region"() ({
        %run_scoped3A = tpu.sem_alloc : memref<!tpu.dma_semaphore, #tpu.memory_space<semaphore_mem>>
        %dma_start3A_79 = arith.constant 0 : i32
        %dma_start3A_80 = arith.constant 0 : i32
        %dma_start3A_81 = tpu.memref_slice %arg15[%dma_start3A_79, %dma_start3A_80] : memref<88x128xf32, #tpu.memory_space<vmem>> -> memref<80x128xf32, #tpu.memory_space<vmem>>
        %dma_start3A_82 = arith.constant 0 : i32
        %dma_start3A_83 = tpu.memref_slice %arg19[%multiple_of3A_78, %dma_start3A_82] : memref<10008x128xf32, #tpu.memory_space<vmem_shared>> -> memref<80x128xf32, #tpu.memory_space<vmem_shared>>
        %dma_start3A_84 = arith.constant 0 : i32
        %dma_start3A_85 = tpu.memref_slice %arg19[%multiple_of3A_78, %dma_start3A_84] : memref<10008x128xf32, #tpu.memory_space<vmem_shared>> -> memref<80x128xf32, #tpu.memory_space<vmem_shared>>
        %dma_start3A_86 = arith.constant 0 : i32
        %dma_start3A_87 = arith.constant 0 : i32
        %dma_start3A_88 = tpu.memref_slice %arg15[%dma_start3A_86, %dma_start3A_87] : memref<88x128xf32, #tpu.memory_space<vmem>> -> memref<80x128xf32, #tpu.memory_space<vmem>>
        tpu.enqueue_dma source(%dma_start3A_88 : memref<80x128xf32, #tpu.memory_space<vmem>>) target(%dma_start3A_85 : memref<80x128xf32, #tpu.memory_space<vmem_shared>>) target_semaphore(%run_scoped3A : memref<!tpu.dma_semaphore, #tpu.memory_space<semaphore_mem>>)
        %dma_wait3A = arith.constant 0 : i32
        %dma_wait3A_89 = arith.constant 0 : i32
        %dma_wait3A_90 = tpu.memref_slice %arg15[%dma_wait3A, %dma_wait3A_89] : memref<88x128xf32, #tpu.memory_space<vmem>> -> memref<80x128xf32, #tpu.memory_space<vmem>>
        %dma_wait3A_91 = arith.constant 0 : i32
        %dma_wait3A_92 = tpu.memref_slice %arg19[%multiple_of3A_78, %dma_wait3A_91] : memref<10008x128xf32, #tpu.memory_space<vmem_shared>> -> memref<80x128xf32, #tpu.memory_space<vmem_shared>>
        %dma_wait3A_93 = arith.constant 0 : i32
        %dma_wait3A_94 = tpu.memref_slice %arg19[%multiple_of3A_78, %dma_wait3A_93] : memref<10008x128xf32, #tpu.memory_space<vmem_shared>> -> memref<80x128xf32, #tpu.memory_space<vmem_shared>>
        %dma_wait3A_95 = arith.constant 0 : i32
        %dma_wait3A_96 = arith.constant 0 : i32
        %dma_wait3A_97 = tpu.memref_slice %arg15[%dma_wait3A_95, %dma_wait3A_96] : memref<88x128xf32, #tpu.memory_space<vmem>> -> memref<80x128xf32, #tpu.memory_space<vmem>>
        tpu.wait_dma2 semaphore(%run_scoped3A : memref<!tpu.dma_semaphore, #tpu.memory_space<semaphore_mem>>) src(%dma_wait3A_97 : memref<80x128xf32, #tpu.memory_space<vmem>>) dst(%dma_wait3A_94 : memref<80x128xf32, #tpu.memory_space<vmem_shared>>)
        tpu.yield
      }) : () -> ()
    }
    %barrier3A = arith.constant 0 : index
    tpu.barrier barrier_id(%barrier3A)
    %broadcast_in_dim3A = arith.constant 1.000000e+00 : f32
    %broadcast_in_dim3A_11 = vector.broadcast %broadcast_in_dim3A : f32 to vector<16xf32>
    %mul3A = arith.constant 160512 : i32
    %mul3A_12 = arith.muli %arg0, %mul3A : i32
    %mul3A_13 = arith.constant 10032 : i32
    %mul3A_14 = arith.muli %arg1, %mul3A_13 : i32
    %add3A = arith.addi %mul3A_12, %mul3A_14 : i32
    %add3A_15 = arith.constant 0 : i32
    %add3A_16 = arith.addi %add3A, %add3A_15 : i32
    %multiple_of3A = tpu.assume_multiple %add3A_16, 8 : i32
    %mul3A_17 = arith.constant 10032 : i32
    %mul3A_18 = arith.muli %arg1, %mul3A_17 : i32
    %add3A_19 = arith.constant 0 : i32
    %add3A_20 = arith.addi %mul3A_18, %add3A_19 : i32
    %multiple_of3A_21 = tpu.assume_multiple %add3A_20, 8 : i32
    "tpu.region"() ({
      %run_scoped3A = tpu.sem_alloc : memref<!tpu.dma_semaphore, #tpu.memory_space<semaphore_mem>>
      %dma_start3A_72 = tpu.memref_slice %arg3[%multiple_of3A] : memref<321024xi32, #tpu.memory_space<hbm>> -> memref<88xi32, #tpu.memory_space<hbm>>
      %dma_start3A_73 = tpu.memref_slice %arg3[%multiple_of3A] : memref<321024xi32, #tpu.memory_space<hbm>> -> memref<88xi32, #tpu.memory_space<hbm>>
      tpu.enqueue_dma source(%dma_start3A_73 : memref<88xi32, #tpu.memory_space<hbm>>) target(%arg9 : memref<88xi32, #tpu.memory_space<vmem>>) target_semaphore(%run_scoped3A : memref<!tpu.dma_semaphore, #tpu.memory_space<semaphore_mem>>)
      %dma_wait3A = tpu.memref_slice %arg3[%multiple_of3A] : memref<321024xi32, #tpu.memory_space<hbm>> -> memref<88xi32, #tpu.memory_space<hbm>>
      %dma_wait3A_74 = tpu.memref_slice %arg3[%multiple_of3A] : memref<321024xi32, #tpu.memory_space<hbm>> -> memref<88xi32, #tpu.memory_space<hbm>>
      tpu.wait_dma2 semaphore(%run_scoped3A : memref<!tpu.dma_semaphore, #tpu.memory_space<semaphore_mem>>) src(%dma_wait3A_74 : memref<88xi32, #tpu.memory_space<hbm>>) dst(%arg9 : memref<88xi32, #tpu.memory_space<vmem>>)
      tpu.yield
    }) : () -> ()
    "tpu.region"() ({
      %run_scoped3A = tpu.sem_alloc : memref<!tpu.dma_semaphore, #tpu.memory_space<semaphore_mem>>
      %dma_start3A_72 = tpu.memref_slice %arg4[%multiple_of3A_21] : memref<160512xi32, #tpu.memory_space<hbm>> -> memref<88xi32, #tpu.memory_space<hbm>>
      %dma_start3A_73 = tpu.memref_slice %arg4[%multiple_of3A_21] : memref<160512xi32, #tpu.memory_space<hbm>> -> memref<88xi32, #tpu.memory_space<hbm>>
      tpu.enqueue_dma source(%dma_start3A_73 : memref<88xi32, #tpu.memory_space<hbm>>) target(%arg12 : memref<88xi32, #tpu.memory_space<vmem>>) target_semaphore(%run_scoped3A : memref<!tpu.dma_semaphore, #tpu.memory_space<semaphore_mem>>)
      %dma_wait3A = tpu.memref_slice %arg4[%multiple_of3A_21] : memref<160512xi32, #tpu.memory_space<hbm>> -> memref<88xi32, #tpu.memory_space<hbm>>
      %dma_wait3A_74 = tpu.memref_slice %arg4[%multiple_of3A_21] : memref<160512xi32, #tpu.memory_space<hbm>> -> memref<88xi32, #tpu.memory_space<hbm>>
      tpu.wait_dma2 semaphore(%run_scoped3A : memref<!tpu.dma_semaphore, #tpu.memory_space<semaphore_mem>>) src(%dma_wait3A_74 : memref<88xi32, #tpu.memory_space<hbm>>) dst(%arg12 : memref<88xi32, #tpu.memory_space<vmem>>)
      tpu.yield
    }) : () -> ()
    %dma_start3A = arith.constant 0 : i32
    %dma_start3A_22 = arith.constant 0 : i32
    %dma_start3A_23 = tpu.memref_slice %arg2[%dma_start3A, %dma_start3A_22] : memref<20000x128xf32, #tpu.memory_space<hbm>> -> memref<20000x128xf32, #tpu.memory_space<hbm>>
    tpu.enqueue_indirect_dma source(%dma_start3A_23 : memref<20000x128xf32, #tpu.memory_space<hbm>>) target(%arg15 : memref<88x128xf32, #tpu.memory_space<vmem>>) offsets(%arg9 : memref<88xi32, #tpu.memory_space<vmem>>) semaphore(%arg20 : memref<!tpu.dma_semaphore, #tpu.memory_space<semaphore_mem>>)
    %mul3A_24 = arith.constant 160512 : i32
    %mul3A_25 = arith.muli %arg0, %mul3A_24 : i32
    %mul3A_26 = arith.constant 10032 : i32
    %mul3A_27 = arith.muli %arg1, %mul3A_26 : i32
    %add3A_28 = arith.addi %mul3A_25, %mul3A_27 : i32
    %add3A_29 = arith.constant 88 : i32
    %add3A_30 = arith.addi %add3A_28, %add3A_29 : i32
    %multiple_of3A_31 = tpu.assume_multiple %add3A_30, 8 : i32
    %mul3A_32 = arith.constant 10032 : i32
    %mul3A_33 = arith.muli %arg1, %mul3A_32 : i32
    %add3A_34 = arith.constant 88 : i32
    %add3A_35 = arith.addi %mul3A_33, %add3A_34 : i32
    %multiple_of3A_36 = tpu.assume_multiple %add3A_35, 8 : i32
    "tpu.region"() ({
      %run_scoped3A = tpu.sem_alloc : memref<!tpu.dma_semaphore, #tpu.memory_space<semaphore_mem>>
      %dma_start3A_72 = tpu.memref_slice %arg3[%multiple_of3A_31] : memref<321024xi32, #tpu.memory_space<hbm>> -> memref<88xi32, #tpu.memory_space<hbm>>
      %dma_start3A_73 = tpu.memref_slice %arg3[%multiple_of3A_31] : memref<321024xi32, #tpu.memory_space<hbm>> -> memref<88xi32, #tpu.memory_space<hbm>>
      tpu.enqueue_dma source(%dma_start3A_73 : memref<88xi32, #tpu.memory_space<hbm>>) target(%arg10 : memref<88xi32, #tpu.memory_space<vmem>>) target_semaphore(%run_scoped3A : memref<!tpu.dma_semaphore, #tpu.memory_space<semaphore_mem>>)
      %dma_wait3A = tpu.memref_slice %arg3[%multiple_of3A_31] : memref<321024xi32, #tpu.memory_space<hbm>> -> memref<88xi32, #tpu.memory_space<hbm>>
      %dma_wait3A_74 = tpu.memref_slice %arg3[%multiple_of3A_31] : memref<321024xi32, #tpu.memory_space<hbm>> -> memref<88xi32, #tpu.memory_space<hbm>>
      tpu.wait_dma2 semaphore(%run_scoped3A : memref<!tpu.dma_semaphore, #tpu.memory_space<semaphore_mem>>) src(%dma_wait3A_74 : memref<88xi32, #tpu.memory_space<hbm>>) dst(%arg10 : memref<88xi32, #tpu.memory_space<vmem>>)
      tpu.yield
    }) : () -> ()
    "tpu.region"() ({
      %run_scoped3A = tpu.sem_alloc : memref<!tpu.dma_semaphore, #tpu.memory_space<semaphore_mem>>
      %dma_start3A_72 = tpu.memref_slice %arg4[%multiple_of3A_36] : memref<160512xi32, #tpu.memory_space<hbm>> -> memref<88xi32, #tpu.memory_space<hbm>>
      %dma_start3A_73 = tpu.memref_slice %arg4[%multiple_of3A_36] : memref<160512xi32, #tpu.memory_space<hbm>> -> memref<88xi32, #tpu.memory_space<hbm>>
      tpu.enqueue_dma source(%dma_start3A_73 : memref<88xi32, #tpu.memory_space<hbm>>) target(%arg13 : memref<88xi32, #tpu.memory_space<vmem>>) target_semaphore(%run_scoped3A : memref<!tpu.dma_semaphore, #tpu.memory_space<semaphore_mem>>)
      %dma_wait3A = tpu.memref_slice %arg4[%multiple_of3A_36] : memref<160512xi32, #tpu.memory_space<hbm>> -> memref<88xi32, #tpu.memory_space<hbm>>
      %dma_wait3A_74 = tpu.memref_slice %arg4[%multiple_of3A_36] : memref<160512xi32, #tpu.memory_space<hbm>> -> memref<88xi32, #tpu.memory_space<hbm>>
      tpu.wait_dma2 semaphore(%run_scoped3A : memref<!tpu.dma_semaphore, #tpu.memory_space<semaphore_mem>>) src(%dma_wait3A_74 : memref<88xi32, #tpu.memory_space<hbm>>) dst(%arg13 : memref<88xi32, #tpu.memory_space<vmem>>)
      tpu.yield
    }) : () -> ()
    %dma_start3A_37 = arith.constant 0 : i32
    %dma_start3A_38 = arith.constant 0 : i32
    %dma_start3A_39 = tpu.memref_slice %arg2[%dma_start3A_37, %dma_start3A_38] : memref<20000x128xf32, #tpu.memory_space<hbm>> -> memref<20000x128xf32, #tpu.memory_space<hbm>>
    tpu.enqueue_indirect_dma source(%dma_start3A_39 : memref<20000x128xf32, #tpu.memory_space<hbm>>) target(%arg16 : memref<88x128xf32, #tpu.memory_space<vmem>>) offsets(%arg10 : memref<88xi32, #tpu.memory_space<vmem>>) semaphore(%arg21 : memref<!tpu.dma_semaphore, #tpu.memory_space<semaphore_mem>>)
    %mul3A_40 = arith.constant 160512 : i32
    %mul3A_41 = arith.muli %arg0, %mul3A_40 : i32
    %mul3A_42 = arith.constant 10032 : i32
    %mul3A_43 = arith.muli %arg1, %mul3A_42 : i32
    %add3A_44 = arith.addi %mul3A_41, %mul3A_43 : i32
    %add3A_45 = arith.constant 176 : i32
    %add3A_46 = arith.addi %add3A_44, %add3A_45 : i32
    %multiple_of3A_47 = tpu.assume_multiple %add3A_46, 8 : i32
    %mul3A_48 = arith.constant 10032 : i32
    %mul3A_49 = arith.muli %arg1, %mul3A_48 : i32
    %add3A_50 = arith.constant 176 : i32
    %add3A_51 = arith.addi %mul3A_49, %add3A_50 : i32
    %multiple_of3A_52 = tpu.assume_multiple %add3A_51, 8 : i32
    "tpu.region"() ({
      %run_scoped3A = tpu.sem_alloc : memref<!tpu.dma_semaphore, #tpu.memory_space<semaphore_mem>>
      %dma_start3A_72 = tpu.memref_slice %arg3[%multiple_of3A_47] : memref<321024xi32, #tpu.memory_space<hbm>> -> memref<88xi32, #tpu.memory_space<hbm>>
      %dma_start3A_73 = tpu.memref_slice %arg3[%multiple_of3A_47] : memref<321024xi32, #tpu.memory_space<hbm>> -> memref<88xi32, #tpu.memory_space<hbm>>
      tpu.enqueue_dma source(%dma_start3A_73 : memref<88xi32, #tpu.memory_space<hbm>>) target(%arg11 : memref<88xi32, #tpu.memory_space<vmem>>) target_semaphore(%run_scoped3A : memref<!tpu.dma_semaphore, #tpu.memory_space<semaphore_mem>>)
      %dma_wait3A = tpu.memref_slice %arg3[%multiple_of3A_47] : memref<321024xi32, #tpu.memory_space<hbm>> -> memref<88xi32, #tpu.memory_space<hbm>>
      %dma_wait3A_74 = tpu.memref_slice %arg3[%multiple_of3A_47] : memref<321024xi32, #tpu.memory_space<hbm>> -> memref<88xi32, #tpu.memory_space<hbm>>
      tpu.wait_dma2 semaphore(%run_scoped3A : memref<!tpu.dma_semaphore, #tpu.memory_space<semaphore_mem>>) src(%dma_wait3A_74 : memref<88xi32, #tpu.memory_space<hbm>>) dst(%arg11 : memref<88xi32, #tpu.memory_space<vmem>>)
      tpu.yield
    }) : () -> ()
    "tpu.region"() ({
      %run_scoped3A = tpu.sem_alloc : memref<!tpu.dma_semaphore, #tpu.memory_space<semaphore_mem>>
      %dma_start3A_72 = tpu.memref_slice %arg4[%multiple_of3A_52] : memref<160512xi32, #tpu.memory_space<hbm>> -> memref<88xi32, #tpu.memory_space<hbm>>
      %dma_start3A_73 = tpu.memref_slice %arg4[%multiple_of3A_52] : memref<160512xi32, #tpu.memory_space<hbm>> -> memref<88xi32, #tpu.memory_space<hbm>>
      tpu.enqueue_dma source(%dma_start3A_73 : memref<88xi32, #tpu.memory_space<hbm>>) target(%arg14 : memref<88xi32, #tpu.memory_space<vmem>>) target_semaphore(%run_scoped3A : memref<!tpu.dma_semaphore, #tpu.memory_space<semaphore_mem>>)
      %dma_wait3A = tpu.memref_slice %arg4[%multiple_of3A_52] : memref<160512xi32, #tpu.memory_space<hbm>> -> memref<88xi32, #tpu.memory_space<hbm>>
      %dma_wait3A_74 = tpu.memref_slice %arg4[%multiple_of3A_52] : memref<160512xi32, #tpu.memory_space<hbm>> -> memref<88xi32, #tpu.memory_space<hbm>>
      tpu.wait_dma2 semaphore(%run_scoped3A : memref<!tpu.dma_semaphore, #tpu.memory_space<semaphore_mem>>) src(%dma_wait3A_74 : memref<88xi32, #tpu.memory_space<hbm>>) dst(%arg14 : memref<88xi32, #tpu.memory_space<vmem>>)
      tpu.yield
    }) : () -> ()
    %dma_start3A_53 = arith.constant 0 : i32
    %dma_start3A_54 = arith.constant 0 : i32
    %dma_start3A_55 = tpu.memref_slice %arg2[%dma_start3A_53, %dma_start3A_54] : memref<20000x128xf32, #tpu.memory_space<hbm>> -> memref<20000x128xf32, #tpu.memory_space<hbm>>
    tpu.enqueue_indirect_dma source(%dma_start3A_55 : memref<20000x128xf32, #tpu.memory_space<hbm>>) target(%arg17 : memref<88x128xf32, #tpu.memory_space<vmem>>) offsets(%arg11 : memref<88xi32, #tpu.memory_space<vmem>>) semaphore(%arg22 : memref<!tpu.dma_semaphore, #tpu.memory_space<semaphore_mem>>)
    %scan3A = arith.constant 0 : i32
    %scan3A_56 = arith.constant 0 : i32
    %scan3A_57 = arith.constant 38 : i32
    %scan3A_58 = arith.addi %scan3A_56, %scan3A_57 : i32
    %scan3A_59 = arith.constant 1 : i32
    scf.for %scan3A_72 = %scan3A_56 to %scan3A_58 step %scan3A_59  : i32 {
      %dma_wait3A = arith.constant 0 : i32
      %dma_wait3A_73 = arith.constant 0 : i32
      %dma_wait3A_74 = tpu.memref_slice %arg2[%dma_wait3A, %dma_wait3A_73] : memref<20000x128xf32, #tpu.memory_space<hbm>> -> memref<20000x128xf32, #tpu.memory_space<hbm>>
      tpu.wait_indirect_dma semaphore(%arg20 : memref<!tpu.dma_semaphore, #tpu.memory_space<semaphore_mem>>) src(%dma_wait3A_74 : memref<20000x128xf32, #tpu.memory_space<hbm>>) dst(%arg15 : memref<88x128xf32, #tpu.memory_space<vmem>>)
      "tpu.region"() ({
        %run_scoped3A = tpu.sem_alloc : memref<!tpu.dma_semaphore, #tpu.memory_space<semaphore_mem>>
        %dma_start3A_128 = arith.constant 0 : i32
        %dma_start3A_129 = arith.constant 0 : i32
        %dma_start3A_130 = tpu.memref_slice %arg19[%dma_start3A_128, %dma_start3A_129] : memref<10008x128xf32, #tpu.memory_space<vmem_shared>> -> memref<10008x128xf32, #tpu.memory_space<vmem_shared>>
        tpu.enqueue_indirect_dma source(%arg15 : memref<88x128xf32, #tpu.memory_space<vmem>>) target(%dma_start3A_130 : memref<10008x128xf32, #tpu.memory_space<vmem_shared>>) offsets(%arg12 : memref<88xi32, #tpu.memory_space<vmem>>) semaphore(%run_scoped3A : memref<!tpu.dma_semaphore, #tpu.memory_space<semaphore_mem>>) {add = true}
        %dma_wait3A_131 = arith.constant 0 : i32
        %dma_wait3A_132 = arith.constant 0 : i32
        %dma_wait3A_133 = tpu.memref_slice %arg19[%dma_wait3A_131, %dma_wait3A_132] : memref<10008x128xf32, #tpu.memory_space<vmem_shared>> -> memref<10008x128xf32, #tpu.memory_space<vmem_shared>>
        tpu.wait_indirect_dma semaphore(%run_scoped3A : memref<!tpu.dma_semaphore, #tpu.memory_space<semaphore_mem>>) src(%arg15 : memref<88x128xf32, #tpu.memory_space<vmem>>) dst(%dma_wait3A_133 : memref<10008x128xf32, #tpu.memory_space<vmem_shared>>)
        tpu.yield
      }) : () -> ()
      %get3A = arith.constant 0 : index
      %get3A_75 = tpu.vector_load %arg12[%get3A] {strides = array<i32>} : memref<88xi32, #tpu.memory_space<vmem>>, vector<16xi32>,
      tpu.vector_store_idx %arg18[%get3A_75], %broadcast_in_dim3A_11 {add = true} : memref<10016xf32, #tpu.memory_space<vmem>>[vector<16xi32>], vector<16xf32>,
      %get3A_76 = arith.constant 16 : index
      %get3A_77 = tpu.vector_load %arg12[%get3A_76] {strides = array<i32>} : memref<88xi32, #tpu.memory_space<vmem>>, vector<16xi32>,
      tpu.vector_store_idx %arg18[%get3A_77], %broadcast_in_dim3A_11 {add = true} : memref<10016xf32, #tpu.memory_space<vmem>>[vector<16xi32>], vector<16xf32>,
      %get3A_78 = arith.constant 32 : index
      %get3A_79 = tpu.vector_load %arg12[%get3A_78] {strides = array<i32>} : memref<88xi32, #tpu.memory_space<vmem>>, vector<16xi32>,
      tpu.vector_store_idx %arg18[%get3A_79], %broadcast_in_dim3A_11 {add = true} : memref<10016xf32, #tpu.memory_space<vmem>>[vector<16xi32>], vector<16xf32>,
      %get3A_80 = arith.constant 48 : index
      %get3A_81 = tpu.vector_load %arg12[%get3A_80] {strides = array<i32>} : memref<88xi32, #tpu.memory_space<vmem>>, vector<16xi32>,
      tpu.vector_store_idx %arg18[%get3A_81], %broadcast_in_dim3A_11 {add = true} : memref<10016xf32, #tpu.memory_space<vmem>>[vector<16xi32>], vector<16xf32>,
      %get3A_82 = arith.constant 64 : index
      %get3A_83 = tpu.vector_load %arg12[%get3A_82] {strides = array<i32>} : memref<88xi32, #tpu.memory_space<vmem>>, vector<16xi32>,
      tpu.vector_store_idx %arg18[%get3A_83], %broadcast_in_dim3A_11 {add = true} : memref<10016xf32, #tpu.memory_space<vmem>>[vector<16xi32>], vector<16xf32>,
      %lt3A_84 = arith.constant 37 : i32
      %lt3A_85 = arith.cmpi slt, %scan3A_72, %lt3A_84 : i32
      %convert_element_type3A = arith.extui %lt3A_85 : i1 to i32
      %cond3A = arith.constant 0 : i32
      %cond3A_86 = arith.cmpi ne, %convert_element_type3A, %cond3A : i32
      scf.if %cond3A_86 {
        %mul3A_128 = arith.constant 3 : i32
        %mul3A_129 = arith.muli %mul3A_128, %scan3A_72 : i32
        %add3A_130 = arith.constant 0 : i32
        %add3A_131 = arith.addi %mul3A_129, %add3A_130 : i32
        %add3A_132 = arith.constant 3 : i32
        %add3A_133 = arith.addi %add3A_131, %add3A_132 : i32
        %mul3A_134 = arith.constant 160512 : i32
        %mul3A_135 = arith.muli %arg0, %mul3A_134 : i32
        %mul3A_136 = arith.constant 10032 : i32
        %mul3A_137 = arith.muli %arg1, %mul3A_136 : i32
        %add3A_138 = arith.addi %mul3A_135, %mul3A_137 : i32
        %mul3A_139 = arith.constant 88 : i32
        %mul3A_140 = arith.muli %add3A_133, %mul3A_139 : i32
        %add3A_141 = arith.addi %add3A_138, %mul3A_140 : i32
        %multiple_of3A_142 = tpu.assume_multiple %add3A_141, 8 : i32
        %mul3A_143 = arith.constant 10032 : i32
        %mul3A_144 = arith.muli %arg1, %mul3A_143 : i32
        %mul3A_145 = arith.constant 88 : i32
        %mul3A_146 = arith.muli %add3A_133, %mul3A_145 : i32
        %add3A_147 = arith.addi %mul3A_144, %mul3A_146 : i32
        %multiple_of3A_148 = tpu.assume_multiple %add3A_147, 8 : i32
        %dma_start3A_149 = tpu.memref_slice %arg3[%multiple_of3A_142] : memref<321024xi32, #tpu.memory_space<hbm>> -> memref<88xi32, #tpu.memory_space<hbm>>
        %dma_start3A_150 = tpu.memref_slice %arg3[%multiple_of3A_142] : memref<321024xi32, #tpu.memory_space<hbm>> -> memref<88xi32, #tpu.memory_space<hbm>>
        tpu.enqueue_dma source(%dma_start3A_150 : memref<88xi32, #tpu.memory_space<hbm>>) target(%arg9 : memref<88xi32, #tpu.memory_space<vmem>>) target_semaphore(%arg23 : memref<!tpu.dma_semaphore, #tpu.memory_space<semaphore_mem>>)
        %dma_start3A_151 = tpu.memref_slice %arg4[%multiple_of3A_148] : memref<160512xi32, #tpu.memory_space<hbm>> -> memref<88xi32, #tpu.memory_space<hbm>>
        %dma_start3A_152 = tpu.memref_slice %arg4[%multiple_of3A_148] : memref<160512xi32, #tpu.memory_space<hbm>> -> memref<88xi32, #tpu.memory_space<hbm>>
        tpu.enqueue_dma source(%dma_start3A_152 : memref<88xi32, #tpu.memory_space<hbm>>) target(%arg12 : memref<88xi32, #tpu.memory_space<vmem>>) target_semaphore(%arg23 : memref<!tpu.dma_semaphore, #tpu.memory_space<semaphore_mem>>)
      } else {
      }
      %dma_wait3A_87 = arith.constant 0 : i32
      %dma_wait3A_88 = arith.constant 0 : i32
      %dma_wait3A_89 = tpu.memref_slice %arg2[%dma_wait3A_87, %dma_wait3A_88] : memref<20000x128xf32, #tpu.memory_space<hbm>> -> memref<20000x128xf32, #tpu.memory_space<hbm>>
      tpu.wait_indirect_dma semaphore(%arg21 : memref<!tpu.dma_semaphore, #tpu.memory_space<semaphore_mem>>) src(%dma_wait3A_89 : memref<20000x128xf32, #tpu.memory_space<hbm>>) dst(%arg16 : memref<88x128xf32, #tpu.memory_space<vmem>>)
      "tpu.region"() ({
        %run_scoped3A = tpu.sem_alloc : memref<!tpu.dma_semaphore, #tpu.memory_space<semaphore_mem>>
        %dma_start3A_128 = arith.constant 0 : i32
        %dma_start3A_129 = arith.constant 0 : i32
        %dma_start3A_130 = tpu.memref_slice %arg19[%dma_start3A_128, %dma_start3A_129] : memref<10008x128xf32, #tpu.memory_space<vmem_shared>> -> memref<10008x128xf32, #tpu.memory_space<vmem_shared>>
        tpu.enqueue_indirect_dma source(%arg16 : memref<88x128xf32, #tpu.memory_space<vmem>>) target(%dma_start3A_130 : memref<10008x128xf32, #tpu.memory_space<vmem_shared>>) offsets(%arg13 : memref<88xi32, #tpu.memory_space<vmem>>) semaphore(%run_scoped3A : memref<!tpu.dma_semaphore, #tpu.memory_space<semaphore_mem>>) {add = true}
        %dma_wait3A_131 = arith.constant 0 : i32
        %dma_wait3A_132 = arith.constant 0 : i32
        %dma_wait3A_133 = tpu.memref_slice %arg19[%dma_wait3A_131, %dma_wait3A_132] : memref<10008x128xf32, #tpu.memory_space<vmem_shared>> -> memref<10008x128xf32, #tpu.memory_space<vmem_shared>>
        tpu.wait_indirect_dma semaphore(%run_scoped3A : memref<!tpu.dma_semaphore, #tpu.memory_space<semaphore_mem>>) src(%arg16 : memref<88x128xf32, #tpu.memory_space<vmem>>) dst(%dma_wait3A_133 : memref<10008x128xf32, #tpu.memory_space<vmem_shared>>)
        tpu.yield
      }) : () -> ()
      %get3A_90 = arith.constant 0 : index
      %get3A_91 = tpu.vector_load %arg13[%get3A_90] {strides = array<i32>} : memref<88xi32, #tpu.memory_space<vmem>>, vector<16xi32>,
      tpu.vector_store_idx %arg18[%get3A_91], %broadcast_in_dim3A_11 {add = true} : memref<10016xf32, #tpu.memory_space<vmem>>[vector<16xi32>], vector<16xf32>,
      %get3A_92 = arith.constant 16 : index
      %get3A_93 = tpu.vector_load %arg13[%get3A_92] {strides = array<i32>} : memref<88xi32, #tpu.memory_space<vmem>>, vector<16xi32>,
      tpu.vector_store_idx %arg18[%get3A_93], %broadcast_in_dim3A_11 {add = true} : memref<10016xf32, #tpu.memory_space<vmem>>[vector<16xi32>], vector<16xf32>,
      %get3A_94 = arith.constant 32 : index
      %get3A_95 = tpu.vector_load %arg13[%get3A_94] {strides = array<i32>} : memref<88xi32, #tpu.memory_space<vmem>>, vector<16xi32>,
      tpu.vector_store_idx %arg18[%get3A_95], %broadcast_in_dim3A_11 {add = true} : memref<10016xf32, #tpu.memory_space<vmem>>[vector<16xi32>], vector<16xf32>,
      %get3A_96 = arith.constant 48 : index
      %get3A_97 = tpu.vector_load %arg13[%get3A_96] {strides = array<i32>} : memref<88xi32, #tpu.memory_space<vmem>>, vector<16xi32>,
      tpu.vector_store_idx %arg18[%get3A_97], %broadcast_in_dim3A_11 {add = true} : memref<10016xf32, #tpu.memory_space<vmem>>[vector<16xi32>], vector<16xf32>,
      %get3A_98 = arith.constant 64 : index
      %get3A_99 = tpu.vector_load %arg13[%get3A_98] {strides = array<i32>} : memref<88xi32, #tpu.memory_space<vmem>>, vector<16xi32>,
      tpu.vector_store_idx %arg18[%get3A_99], %broadcast_in_dim3A_11 {add = true} : memref<10016xf32, #tpu.memory_space<vmem>>[vector<16xi32>], vector<16xf32>,
      %lt3A_100 = arith.constant 37 : i32
      %lt3A_101 = arith.cmpi slt, %scan3A_72, %lt3A_100 : i32
      %convert_element_type3A_102 = arith.extui %lt3A_101 : i1 to i32
      %cond3A_103 = arith.constant 0 : i32
      %cond3A_104 = arith.cmpi ne, %convert_element_type3A_102, %cond3A_103 : i32
      scf.if %cond3A_104 {
        %mul3A_128 = arith.constant 3 : i32
        %mul3A_129 = arith.muli %mul3A_128, %scan3A_72 : i32
        %add3A_130 = arith.constant 1 : i32
        %add3A_131 = arith.addi %mul3A_129, %add3A_130 : i32
        %add3A_132 = arith.constant 3 : i32
        %add3A_133 = arith.addi %add3A_131, %add3A_132 : i32
        %mul3A_134 = arith.constant 160512 : i32
        %mul3A_135 = arith.muli %arg0, %mul3A_134 : i32
        %mul3A_136 = arith.constant 10032 : i32
        %mul3A_137 = arith.muli %arg1, %mul3A_136 : i32
        %add3A_138 = arith.addi %mul3A_135, %mul3A_137 : i32
        %mul3A_139 = arith.constant 88 : i32
        %mul3A_140 = arith.muli %add3A_133, %mul3A_139 : i32
        %add3A_141 = arith.addi %add3A_138, %mul3A_140 : i32
        %multiple_of3A_142 = tpu.assume_multiple %add3A_141, 8 : i32
        %mul3A_143 = arith.constant 10032 : i32
        %mul3A_144 = arith.muli %arg1, %mul3A_143 : i32
        %mul3A_145 = arith.constant 88 : i32
        %mul3A_146 = arith.muli %add3A_133, %mul3A_145 : i32
        %add3A_147 = arith.addi %mul3A_144, %mul3A_146 : i32
        %multiple_of3A_148 = tpu.assume_multiple %add3A_147, 8 : i32
        %dma_start3A_149 = tpu.memref_slice %arg3[%multiple_of3A_142] : memref<321024xi32, #tpu.memory_space<hbm>> -> memref<88xi32, #tpu.memory_space<hbm>>
        %dma_start3A_150 = tpu.memref_slice %arg3[%multiple_of3A_142] : memref<321024xi32, #tpu.memory_space<hbm>> -> memref<88xi32, #tpu.memory_space<hbm>>
        tpu.enqueue_dma source(%dma_start3A_150 : memref<88xi32, #tpu.memory_space<hbm>>) target(%arg10 : memref<88xi32, #tpu.memory_space<vmem>>) target_semaphore(%arg24 : memref<!tpu.dma_semaphore, #tpu.memory_space<semaphore_mem>>)
        %dma_start3A_151 = tpu.memref_slice %arg4[%multiple_of3A_148] : memref<160512xi32, #tpu.memory_space<hbm>> -> memref<88xi32, #tpu.memory_space<hbm>>
        %dma_start3A_152 = tpu.memref_slice %arg4[%multiple_of3A_148] : memref<160512xi32, #tpu.memory_space<hbm>> -> memref<88xi32, #tpu.memory_space<hbm>>
        tpu.enqueue_dma source(%dma_start3A_152 : memref<88xi32, #tpu.memory_space<hbm>>) target(%arg13 : memref<88xi32, #tpu.memory_space<vmem>>) target_semaphore(%arg24 : memref<!tpu.dma_semaphore, #tpu.memory_space<semaphore_mem>>)
      } else {
      }
      %dma_wait3A_105 = arith.constant 0 : i32
      %dma_wait3A_106 = arith.constant 0 : i32
      %dma_wait3A_107 = tpu.memref_slice %arg2[%dma_wait3A_105, %dma_wait3A_106] : memref<20000x128xf32, #tpu.memory_space<hbm>> -> memref<20000x128xf32, #tpu.memory_space<hbm>>
      tpu.wait_indirect_dma semaphore(%arg22 : memref<!tpu.dma_semaphore, #tpu.memory_space<semaphore_mem>>) src(%dma_wait3A_107 : memref<20000x128xf32, #tpu.memory_space<hbm>>) dst(%arg17 : memref<88x128xf32, #tpu.memory_space<vmem>>)
      "tpu.region"() ({
        %run_scoped3A = tpu.sem_alloc : memref<!tpu.dma_semaphore, #tpu.memory_space<semaphore_mem>>
        %dma_start3A_128 = arith.constant 0 : i32
        %dma_start3A_129 = arith.constant 0 : i32
        %dma_start3A_130 = tpu.memref_slice %arg19[%dma_start3A_128, %dma_start3A_129] : memref<10008x128xf32, #tpu.memory_space<vmem_shared>> -> memref<10008x128xf32, #tpu.memory_space<vmem_shared>>
        tpu.enqueue_indirect_dma source(%arg17 : memref<88x128xf32, #tpu.memory_space<vmem>>) target(%dma_start3A_130 : memref<10008x128xf32, #tpu.memory_space<vmem_shared>>) offsets(%arg14 : memref<88xi32, #tpu.memory_space<vmem>>) semaphore(%run_scoped3A : memref<!tpu.dma_semaphore, #tpu.memory_space<semaphore_mem>>) {add = true}
        %dma_wait3A_131 = arith.constant 0 : i32
        %dma_wait3A_132 = arith.constant 0 : i32
        %dma_wait3A_133 = tpu.memref_slice %arg19[%dma_wait3A_131, %dma_wait3A_132] : memref<10008x128xf32, #tpu.memory_space<vmem_shared>> -> memref<10008x128xf32, #tpu.memory_space<vmem_shared>>
        tpu.wait_indirect_dma semaphore(%run_scoped3A : memref<!tpu.dma_semaphore, #tpu.memory_space<semaphore_mem>>) src(%arg17 : memref<88x128xf32, #tpu.memory_space<vmem>>) dst(%dma_wait3A_133 : memref<10008x128xf32, #tpu.memory_space<vmem_shared>>)
        tpu.yield
      }) : () -> ()
      %get3A_108 = arith.constant 0 : index
      %get3A_109 = tpu.vector_load %arg14[%get3A_108] {strides = array<i32>} : memref<88xi32, #tpu.memory_space<vmem>>, vector<16xi32>,
      tpu.vector_store_idx %arg18[%get3A_109], %broadcast_in_dim3A_11 {add = true} : memref<10016xf32, #tpu.memory_space<vmem>>[vector<16xi32>], vector<16xf32>,
      %get3A_110 = arith.constant 16 : index
      %get3A_111 = tpu.vector_load %arg14[%get3A_110] {strides = array<i32>} : memref<88xi32, #tpu.memory_space<vmem>>, vector<16xi32>,
      tpu.vector_store_idx %arg18[%get3A_111], %broadcast_in_dim3A_11 {add = true} : memref<10016xf32, #tpu.memory_space<vmem>>[vector<16xi32>], vector<16xf32>,
      %get3A_112 = arith.constant 32 : index
      %get3A_113 = tpu.vector_load %arg14[%get3A_112] {strides = array<i32>} : memref<88xi32, #tpu.memory_space<vmem>>, vector<16xi32>,
      tpu.vector_store_idx %arg18[%get3A_113], %broadcast_in_dim3A_11 {add = true} : memref<10016xf32, #tpu.memory_space<vmem>>[vector<16xi32>], vector<16xf32>,
      %get3A_114 = arith.constant 48 : index
      %get3A_115 = tpu.vector_load %arg14[%get3A_114] {strides = array<i32>} : memref<88xi32, #tpu.memory_space<vmem>>, vector<16xi32>,
      tpu.vector_store_idx %arg18[%get3A_115], %broadcast_in_dim3A_11 {add = true} : memref<10016xf32, #tpu.memory_space<vmem>>[vector<16xi32>], vector<16xf32>,
      %get3A_116 = arith.constant 64 : index
      %get3A_117 = tpu.vector_load %arg14[%get3A_116] {strides = array<i32>} : memref<88xi32, #tpu.memory_space<vmem>>, vector<16xi32>,
      tpu.vector_store_idx %arg18[%get3A_117], %broadcast_in_dim3A_11 {add = true} : memref<10016xf32, #tpu.memory_space<vmem>>[vector<16xi32>], vector<16xf32>,
      %lt3A_118 = arith.constant 37 : i32
      %lt3A_119 = arith.cmpi slt, %scan3A_72, %lt3A_118 : i32
      %convert_element_type3A_120 = arith.extui %lt3A_119 : i1 to i32
      %cond3A_121 = arith.constant 0 : i32
      %cond3A_122 = arith.cmpi ne, %convert_element_type3A_120, %cond3A_121 : i32
      scf.if %cond3A_122 {
        %mul3A_128 = arith.constant 3 : i32
        %mul3A_129 = arith.muli %mul3A_128, %scan3A_72 : i32
        %add3A_130 = arith.constant 2 : i32
        %add3A_131 = arith.addi %mul3A_129, %add3A_130 : i32
        %add3A_132 = arith.constant 3 : i32
        %add3A_133 = arith.addi %add3A_131, %add3A_132 : i32
        %mul3A_134 = arith.constant 160512 : i32
        %mul3A_135 = arith.muli %arg0, %mul3A_134 : i32
        %mul3A_136 = arith.constant 10032 : i32
        %mul3A_137 = arith.muli %arg1, %mul3A_136 : i32
        %add3A_138 = arith.addi %mul3A_135, %mul3A_137 : i32
        %mul3A_139 = arith.constant 88 : i32
        %mul3A_140 = arith.muli %add3A_133, %mul3A_139 : i32
        %add3A_141 = arith.addi %add3A_138, %mul3A_140 : i32
        %multiple_of3A_142 = tpu.assume_multiple %add3A_141, 8 : i32
        %mul3A_143 = arith.constant 10032 : i32
        %mul3A_144 = arith.muli %arg1, %mul3A_143 : i32
        %mul3A_145 = arith.constant 88 : i32
        %mul3A_146 = arith.muli %add3A_133, %mul3A_145 : i32
        %add3A_147 = arith.addi %mul3A_144, %mul3A_146 : i32
        %multiple_of3A_148 = tpu.assume_multiple %add3A_147, 8 : i32
        %dma_start3A_149 = tpu.memref_slice %arg3[%multiple_of3A_142] : memref<321024xi32, #tpu.memory_space<hbm>> -> memref<88xi32, #tpu.memory_space<hbm>>
        %dma_start3A_150 = tpu.memref_slice %arg3[%multiple_of3A_142] : memref<321024xi32, #tpu.memory_space<hbm>> -> memref<88xi32, #tpu.memory_space<hbm>>
        tpu.enqueue_dma source(%dma_start3A_150 : memref<88xi32, #tpu.memory_space<hbm>>) target(%arg11 : memref<88xi32, #tpu.memory_space<vmem>>) target_semaphore(%arg25 : memref<!tpu.dma_semaphore, #tpu.memory_space<semaphore_mem>>)
        %dma_start3A_151 = tpu.memref_slice %arg4[%multiple_of3A_148] : memref<160512xi32, #tpu.memory_space<hbm>> -> memref<88xi32, #tpu.memory_space<hbm>>
        %dma_start3A_152 = tpu.memref_slice %arg4[%multiple_of3A_148] : memref<160512xi32, #tpu.memory_space<hbm>> -> memref<88xi32, #tpu.memory_space<hbm>>
        tpu.enqueue_dma source(%dma_start3A_152 : memref<88xi32, #tpu.memory_space<hbm>>) target(%arg14 : memref<88xi32, #tpu.memory_space<vmem>>) target_semaphore(%arg25 : memref<!tpu.dma_semaphore, #tpu.memory_space<semaphore_mem>>)
      } else {
      }
      %lt3A_123 = arith.constant 37 : i32
      %lt3A_124 = arith.cmpi slt, %scan3A_72, %lt3A_123 : i32
      %convert_element_type3A_125 = arith.extui %lt3A_124 : i1 to i32
      %cond3A_126 = arith.constant 0 : i32
      %cond3A_127 = arith.cmpi ne, %convert_element_type3A_125, %cond3A_126 : i32
      scf.if %cond3A_127 {
        %mul3A_128 = arith.constant 3 : i32
        %mul3A_129 = arith.muli %mul3A_128, %scan3A_72 : i32
        %add3A_130 = arith.constant 0 : i32
        %add3A_131 = arith.addi %mul3A_129, %add3A_130 : i32
        %add3A_132 = arith.constant 3 : i32
        %add3A_133 = arith.addi %add3A_131, %add3A_132 : i32
        %mul3A_134 = arith.constant 160512 : i32
        %mul3A_135 = arith.muli %arg0, %mul3A_134 : i32
        %mul3A_136 = arith.constant 10032 : i32
        %mul3A_137 = arith.muli %arg1, %mul3A_136 : i32
        %add3A_138 = arith.addi %mul3A_135, %mul3A_137 : i32
        %mul3A_139 = arith.constant 88 : i32
        %mul3A_140 = arith.muli %add3A_133, %mul3A_139 : i32
        %add3A_141 = arith.addi %add3A_138, %mul3A_140 : i32
        %multiple_of3A_142 = tpu.assume_multiple %add3A_141, 8 : i32
        %mul3A_143 = arith.constant 10032 : i32
        %mul3A_144 = arith.muli %arg1, %mul3A_143 : i32
        %mul3A_145 = arith.constant 88 : i32
        %mul3A_146 = arith.muli %add3A_133, %mul3A_145 : i32
        %add3A_147 = arith.addi %mul3A_144, %mul3A_146 : i32
        %multiple_of3A_148 = tpu.assume_multiple %add3A_147, 8 : i32
        %dma_wait3A_149 = tpu.memref_slice %arg3[%multiple_of3A_142] : memref<321024xi32, #tpu.memory_space<hbm>> -> memref<88xi32, #tpu.memory_space<hbm>>
        %dma_wait3A_150 = tpu.memref_slice %arg3[%multiple_of3A_142] : memref<321024xi32, #tpu.memory_space<hbm>> -> memref<88xi32, #tpu.memory_space<hbm>>
        tpu.wait_dma2 semaphore(%arg23 : memref<!tpu.dma_semaphore, #tpu.memory_space<semaphore_mem>>) src(%dma_wait3A_150 : memref<88xi32, #tpu.memory_space<hbm>>) dst(%arg9 : memref<88xi32, #tpu.memory_space<vmem>>)
        %dma_wait3A_151 = tpu.memref_slice %arg4[%multiple_of3A_148] : memref<160512xi32, #tpu.memory_space<hbm>> -> memref<88xi32, #tpu.memory_space<hbm>>
        %dma_wait3A_152 = tpu.memref_slice %arg4[%multiple_of3A_148] : memref<160512xi32, #tpu.memory_space<hbm>> -> memref<88xi32, #tpu.memory_space<hbm>>
        tpu.wait_dma2 semaphore(%arg23 : memref<!tpu.dma_semaphore, #tpu.memory_space<semaphore_mem>>) src(%dma_wait3A_152 : memref<88xi32, #tpu.memory_space<hbm>>) dst(%arg12 : memref<88xi32, #tpu.memory_space<vmem>>)
        %dma_start3A_153 = arith.constant 0 : i32
        %dma_start3A_154 = arith.constant 0 : i32
        %dma_start3A_155 = tpu.memref_slice %arg2[%dma_start3A_153, %dma_start3A_154] : memref<20000x128xf32, #tpu.memory_space<hbm>> -> memref<20000x128xf32, #tpu.memory_space<hbm>>
        tpu.enqueue_indirect_dma source(%dma_start3A_155 : memref<20000x128xf32, #tpu.memory_space<hbm>>) target(%arg15 : memref<88x128xf32, #tpu.memory_space<vmem>>) offsets(%arg9 : memref<88xi32, #tpu.memory_space<vmem>>) semaphore(%arg20 : memref<!tpu.dma_semaphore, #tpu.memory_space<semaphore_mem>>)
        %mul3A_156 = arith.constant 3 : i32
        %mul3A_157 = arith.muli %mul3A_156, %scan3A_72 : i32
        %add3A_158 = arith.constant 1 : i32
        %add3A_159 = arith.addi %mul3A_157, %add3A_158 : i32
        %add3A_160 = arith.constant 3 : i32
        %add3A_161 = arith.addi %add3A_159, %add3A_160 : i32
        %mul3A_162 = arith.constant 160512 : i32
        %mul3A_163 = arith.muli %arg0, %mul3A_162 : i32
        %mul3A_164 = arith.constant 10032 : i32
        %mul3A_165 = arith.muli %arg1, %mul3A_164 : i32
        %add3A_166 = arith.addi %mul3A_163, %mul3A_165 : i32
        %mul3A_167 = arith.constant 88 : i32
        %mul3A_168 = arith.muli %add3A_161, %mul3A_167 : i32
        %add3A_169 = arith.addi %add3A_166, %mul3A_168 : i32
        %multiple_of3A_170 = tpu.assume_multiple %add3A_169, 8 : i32
        %mul3A_171 = arith.constant 10032 : i32
        %mul3A_172 = arith.muli %arg1, %mul3A_171 : i32
        %mul3A_173 = arith.constant 88 : i32
        %mul3A_174 = arith.muli %add3A_161, %mul3A_173 : i32
        %add3A_175 = arith.addi %mul3A_172, %mul3A_174 : i32
        %multiple_of3A_176 = tpu.assume_multiple %add3A_175, 8 : i32
        %dma_wait3A_177 = tpu.memref_slice %arg3[%multiple_of3A_170] : memref<321024xi32, #tpu.memory_space<hbm>> -> memref<88xi32, #tpu.memory_space<hbm>>
        %dma_wait3A_178 = tpu.memref_slice %arg3[%multiple_of3A_170] : memref<321024xi32, #tpu.memory_space<hbm>> -> memref<88xi32, #tpu.memory_space<hbm>>
        tpu.wait_dma2 semaphore(%arg24 : memref<!tpu.dma_semaphore, #tpu.memory_space<semaphore_mem>>) src(%dma_wait3A_178 : memref<88xi32, #tpu.memory_space<hbm>>) dst(%arg10 : memref<88xi32, #tpu.memory_space<vmem>>)
        %dma_wait3A_179 = tpu.memref_slice %arg4[%multiple_of3A_176] : memref<160512xi32, #tpu.memory_space<hbm>> -> memref<88xi32, #tpu.memory_space<hbm>>
        %dma_wait3A_180 = tpu.memref_slice %arg4[%multiple_of3A_176] : memref<160512xi32, #tpu.memory_space<hbm>> -> memref<88xi32, #tpu.memory_space<hbm>>
        tpu.wait_dma2 semaphore(%arg24 : memref<!tpu.dma_semaphore, #tpu.memory_space<semaphore_mem>>) src(%dma_wait3A_180 : memref<88xi32, #tpu.memory_space<hbm>>) dst(%arg13 : memref<88xi32, #tpu.memory_space<vmem>>)
        %dma_start3A_181 = arith.constant 0 : i32
        %dma_start3A_182 = arith.constant 0 : i32
        %dma_start3A_183 = tpu.memref_slice %arg2[%dma_start3A_181, %dma_start3A_182] : memref<20000x128xf32, #tpu.memory_space<hbm>> -> memref<20000x128xf32, #tpu.memory_space<hbm>>
        tpu.enqueue_indirect_dma source(%dma_start3A_183 : memref<20000x128xf32, #tpu.memory_space<hbm>>) target(%arg16 : memref<88x128xf32, #tpu.memory_space<vmem>>) offsets(%arg10 : memref<88xi32, #tpu.memory_space<vmem>>) semaphore(%arg21 : memref<!tpu.dma_semaphore, #tpu.memory_space<semaphore_mem>>)
        %mul3A_184 = arith.constant 3 : i32
        %mul3A_185 = arith.muli %mul3A_184, %scan3A_72 : i32
        %add3A_186 = arith.constant 2 : i32
        %add3A_187 = arith.addi %mul3A_185, %add3A_186 : i32
        %add3A_188 = arith.constant 3 : i32
        %add3A_189 = arith.addi %add3A_187, %add3A_188 : i32
        %mul3A_190 = arith.constant 160512 : i32
        %mul3A_191 = arith.muli %arg0, %mul3A_190 : i32
        %mul3A_192 = arith.constant 10032 : i32
        %mul3A_193 = arith.muli %arg1, %mul3A_192 : i32
        %add3A_194 = arith.addi %mul3A_191, %mul3A_193 : i32
        %mul3A_195 = arith.constant 88 : i32
        %mul3A_196 = arith.muli %add3A_189, %mul3A_195 : i32
        %add3A_197 = arith.addi %add3A_194, %mul3A_196 : i32
        %multiple_of3A_198 = tpu.assume_multiple %add3A_197, 8 : i32
        %mul3A_199 = arith.constant 10032 : i32
        %mul3A_200 = arith.muli %arg1, %mul3A_199 : i32
        %mul3A_201 = arith.constant 88 : i32
        %mul3A_202 = arith.muli %add3A_189, %mul3A_201 : i32
        %add3A_203 = arith.addi %mul3A_200, %mul3A_202 : i32
        %multiple_of3A_204 = tpu.assume_multiple %add3A_203, 8 : i32
        %dma_wait3A_205 = tpu.memref_slice %arg3[%multiple_of3A_198] : memref<321024xi32, #tpu.memory_space<hbm>> -> memref<88xi32, #tpu.memory_space<hbm>>
        %dma_wait3A_206 = tpu.memref_slice %arg3[%multiple_of3A_198] : memref<321024xi32, #tpu.memory_space<hbm>> -> memref<88xi32, #tpu.memory_space<hbm>>
        tpu.wait_dma2 semaphore(%arg25 : memref<!tpu.dma_semaphore, #tpu.memory_space<semaphore_mem>>) src(%dma_wait3A_206 : memref<88xi32, #tpu.memory_space<hbm>>) dst(%arg11 : memref<88xi32, #tpu.memory_space<vmem>>)
        %dma_wait3A_207 = tpu.memref_slice %arg4[%multiple_of3A_204] : memref<160512xi32, #tpu.memory_space<hbm>> -> memref<88xi32, #tpu.memory_space<hbm>>
        %dma_wait3A_208 = tpu.memref_slice %arg4[%multiple_of3A_204] : memref<160512xi32, #tpu.memory_space<hbm>> -> memref<88xi32, #tpu.memory_space<hbm>>
        tpu.wait_dma2 semaphore(%arg25 : memref<!tpu.dma_semaphore, #tpu.memory_space<semaphore_mem>>) src(%dma_wait3A_208 : memref<88xi32, #tpu.memory_space<hbm>>) dst(%arg14 : memref<88xi32, #tpu.memory_space<vmem>>)
        %dma_start3A_209 = arith.constant 0 : i32
        %dma_start3A_210 = arith.constant 0 : i32
        %dma_start3A_211 = tpu.memref_slice %arg2[%dma_start3A_209, %dma_start3A_210] : memref<20000x128xf32, #tpu.memory_space<hbm>> -> memref<20000x128xf32, #tpu.memory_space<hbm>>
        tpu.enqueue_indirect_dma source(%dma_start3A_211 : memref<20000x128xf32, #tpu.memory_space<hbm>>) target(%arg17 : memref<88x128xf32, #tpu.memory_space<vmem>>) offsets(%arg11 : memref<88xi32, #tpu.memory_space<vmem>>) semaphore(%arg22 : memref<!tpu.dma_semaphore, #tpu.memory_space<semaphore_mem>>)
      } else {
      }
    }
    %scan3A_60 = arith.constant 38 : i32
    %barrier3A_61 = arith.constant 0 : index
    tpu.barrier barrier_id(%barrier3A_61)
    "tpu.region"() ({
      %run_scoped3A = tpu.sem_alloc : memref<!tpu.dma_semaphore, #tpu.memory_space<semaphore_mem>>
      %dma_start3A_72 = arith.constant 0 : i32
      %dma_start3A_73 = tpu.memref_slice %arg8[%arg0, %arg1, %dma_start3A_72] : memref<2x16x10016xf32, #tpu.memory_space<hbm>> -> memref<1x1x10016xf32, #tpu.memory_space<hbm>>
      %dma_start3A_74 = tpu.memref_squeeze %dma_start3A_73 : memref<1x1x10016xf32, #tpu.memory_space<hbm>> -> memref<10016xf32, #tpu.memory_space<hbm>>
      %dma_start3A_75 = arith.constant 0 : i32
      %dma_start3A_76 = tpu.memref_slice %arg8[%arg0, %arg1, %dma_start3A_75] : memref<2x16x10016xf32, #tpu.memory_space<hbm>> -> memref<1x1x10016xf32, #tpu.memory_space<hbm>>
      %dma_start3A_77 = tpu.memref_squeeze %dma_start3A_76 : memref<1x1x10016xf32, #tpu.memory_space<hbm>> -> memref<10016xf32, #tpu.memory_space<hbm>>
      tpu.enqueue_dma source(%arg18 : memref<10016xf32, #tpu.memory_space<vmem>>) target(%dma_start3A_77 : memref<10016xf32, #tpu.memory_space<hbm>>) target_semaphore(%run_scoped3A : memref<!tpu.dma_semaphore, #tpu.memory_space<semaphore_mem>>)
      %dma_wait3A = arith.constant 0 : i32
      %dma_wait3A_78 = tpu.memref_slice %arg8[%arg0, %arg1, %dma_wait3A] : memref<2x16x10016xf32, #tpu.memory_space<hbm>> -> memref<1x1x10016xf32, #tpu.memory_space<hbm>>
      %dma_wait3A_79 = tpu.memref_squeeze %dma_wait3A_78 : memref<1x1x10016xf32, #tpu.memory_space<hbm>> -> memref<10016xf32, #tpu.memory_space<hbm>>
      %dma_wait3A_80 = arith.constant 0 : i32
      %dma_wait3A_81 = tpu.memref_slice %arg8[%arg0, %arg1, %dma_wait3A_80] : memref<2x16x10016xf32, #tpu.memory_space<hbm>> -> memref<1x1x10016xf32, #tpu.memory_space<hbm>>
      %dma_wait3A_82 = tpu.memref_squeeze %dma_wait3A_81 : memref<1x1x10016xf32, #tpu.memory_space<hbm>> -> memref<10016xf32, #tpu.memory_space<hbm>>
      tpu.wait_dma2 semaphore(%run_scoped3A : memref<!tpu.dma_semaphore, #tpu.memory_space<semaphore_mem>>) src(%arg18 : memref<10016xf32, #tpu.memory_space<vmem>>) dst(%dma_wait3A_82 : memref<10016xf32, #tpu.memory_space<hbm>>)
      tpu.yield
    }) : () -> ()
    %while3A_62 = arith.constant 0 : i32
    %while3A_63 = arith.constant 0 : i32
    %while3A_64 = arith.subi %select_n3A, %while3A_63 : i32
    %while3A_65 = arith.addi %while3A_63, %while3A_64 : i32
    %while3A_66 = arith.constant 1 : i32
    %while3A_67 = arith.divsi %while3A_64, %while3A_66 : i32
    %while3A_68 = arith.muli %while3A_67, %while3A_66 : i32
    %while3A_69 = arith.addi %while3A_63, %while3A_68 : i32
    %while3A_70 = arith.constant 1 : i32
    scf.for %while3A_72 = %while3A_63 to %while3A_69 step %while3A_70  : i32 {
      %mul3A_73 = arith.constant 16 : i32
      %mul3A_74 = arith.muli %mul3A_73, %while3A_72 : i32
      %add3A_75 = arith.addi %arg1, %mul3A_74 : i32
      %mul3A_76 = arith.constant 80 : i32
      %mul3A_77 = arith.muli %add3A_75, %mul3A_76 : i32
      %multiple_of3A_78 = tpu.assume_multiple %mul3A_77, 8 : i32
      "tpu.region"() ({
        %run_scoped3A = tpu.sem_alloc : memref<!tpu.dma_semaphore, #tpu.memory_space<semaphore_mem>>
        %dma_start3A_79 = arith.constant 0 : i32
        %dma_start3A_80 = arith.constant 0 : i32
        %dma_start3A_81 = tpu.memref_slice %arg15[%dma_start3A_79, %dma_start3A_80] : memref<88x128xf32, #tpu.memory_space<vmem>> -> memref<80x128xf32, #tpu.memory_space<vmem>>
        %dma_start3A_82 = arith.constant 0 : i32
        %dma_start3A_83 = tpu.memref_slice %arg19[%multiple_of3A_78, %dma_start3A_82] : memref<10008x128xf32, #tpu.memory_space<vmem_shared>> -> memref<80x128xf32, #tpu.memory_space<vmem_shared>>
        %dma_start3A_84 = arith.constant 0 : i32
        %dma_start3A_85 = arith.constant 0 : i32
        %dma_start3A_86 = tpu.memref_slice %arg15[%dma_start3A_84, %dma_start3A_85] : memref<88x128xf32, #tpu.memory_space<vmem>> -> memref<80x128xf32, #tpu.memory_space<vmem>>
        %dma_start3A_87 = arith.constant 0 : i32
        %dma_start3A_88 = tpu.memref_slice %arg19[%multiple_of3A_78, %dma_start3A_87] : memref<10008x128xf32, #tpu.memory_space<vmem_shared>> -> memref<80x128xf32, #tpu.memory_space<vmem_shared>>
        tpu.enqueue_dma source(%dma_start3A_88 : memref<80x128xf32, #tpu.memory_space<vmem_shared>>) target(%dma_start3A_86 : memref<80x128xf32, #tpu.memory_space<vmem>>) target_semaphore(%run_scoped3A : memref<!tpu.dma_semaphore, #tpu.memory_space<semaphore_mem>>)
        %dma_wait3A = arith.constant 0 : i32
        %dma_wait3A_89 = arith.constant 0 : i32
        %dma_wait3A_90 = tpu.memref_slice %arg15[%dma_wait3A, %dma_wait3A_89] : memref<88x128xf32, #tpu.memory_space<vmem>> -> memref<80x128xf32, #tpu.memory_space<vmem>>
        %dma_wait3A_91 = arith.constant 0 : i32
        %dma_wait3A_92 = tpu.memref_slice %arg19[%multiple_of3A_78, %dma_wait3A_91] : memref<10008x128xf32, #tpu.memory_space<vmem_shared>> -> memref<80x128xf32, #tpu.memory_space<vmem_shared>>
        %dma_wait3A_93 = arith.constant 0 : i32
        %dma_wait3A_94 = arith.constant 0 : i32
        %dma_wait3A_95 = tpu.memref_slice %arg15[%dma_wait3A_93, %dma_wait3A_94] : memref<88x128xf32, #tpu.memory_space<vmem>> -> memref<80x128xf32, #tpu.memory_space<vmem>>
        %dma_wait3A_96 = arith.constant 0 : i32
        %dma_wait3A_97 = tpu.memref_slice %arg19[%multiple_of3A_78, %dma_wait3A_96] : memref<10008x128xf32, #tpu.memory_space<vmem_shared>> -> memref<80x128xf32, #tpu.memory_space<vmem_shared>>
        tpu.wait_dma2 semaphore(%run_scoped3A : memref<!tpu.dma_semaphore, #tpu.memory_space<semaphore_mem>>) src(%dma_wait3A_97 : memref<80x128xf32, #tpu.memory_space<vmem_shared>>) dst(%dma_wait3A_95 : memref<80x128xf32, #tpu.memory_space<vmem>>)
        tpu.yield
      }) : () -> ()
      "tpu.region"() ({
        %run_scoped3A = tpu.sem_alloc : memref<!tpu.dma_semaphore, #tpu.memory_space<semaphore_mem>>
        %dma_start3A_79 = arith.constant 0 : i32
        %dma_start3A_80 = arith.constant 0 : i32
        %dma_start3A_81 = tpu.memref_slice %arg15[%dma_start3A_79, %dma_start3A_80] : memref<88x128xf32, #tpu.memory_space<vmem>> -> memref<80x128xf32, #tpu.memory_space<vmem>>
        %dma_start3A_82 = arith.constant 0 : i32
        %dma_start3A_83 = tpu.memref_slice %arg7[%arg0, %multiple_of3A_78, %dma_start3A_82] : memref<2x10000x128xf32, #tpu.memory_space<hbm>> -> memref<1x80x128xf32, #tpu.memory_space<hbm>>
        %dma_start3A_84 = tpu.memref_squeeze %dma_start3A_83 : memref<1x80x128xf32, #tpu.memory_space<hbm>> -> memref<80x128xf32, #tpu.memory_space<hbm>>
        %dma_start3A_85 = arith.constant 0 : i32
        %dma_start3A_86 = tpu.memref_slice %arg7[%arg0, %multiple_of3A_78, %dma_start3A_85] : memref<2x10000x128xf32, #tpu.memory_space<hbm>> -> memref<1x80x128xf32, #tpu.memory_space<hbm>>
        %dma_start3A_87 = tpu.memref_squeeze %dma_start3A_86 : memref<1x80x128xf32, #tpu.memory_space<hbm>> -> memref<80x128xf32, #tpu.memory_space<hbm>>
        %dma_start3A_88 = arith.constant 0 : i32
        %dma_start3A_89 = arith.constant 0 : i32
        %dma_start3A_90 = tpu.memref_slice %arg15[%dma_start3A_88, %dma_start3A_89] : memref<88x128xf32, #tpu.memory_space<vmem>> -> memref<80x128xf32, #tpu.memory_space<vmem>>
        tpu.enqueue_dma source(%dma_start3A_90 : memref<80x128xf32, #tpu.memory_space<vmem>>) target(%dma_start3A_87 : memref<80x128xf32, #tpu.memory_space<hbm>>) target_semaphore(%run_scoped3A : memref<!tpu.dma_semaphore, #tpu.memory_space<semaphore_mem>>)
        %dma_wait3A = arith.constant 0 : i32
        %dma_wait3A_91 = arith.constant 0 : i32
        %dma_wait3A_92 = tpu.memref_slice %arg15[%dma_wait3A, %dma_wait3A_91] : memref<88x128xf32, #tpu.memory_space<vmem>> -> memref<80x128xf32, #tpu.memory_space<vmem>>
        %dma_wait3A_93 = arith.constant 0 : i32
        %dma_wait3A_94 = tpu.memref_slice %arg7[%arg0, %multiple_of3A_78, %dma_wait3A_93] : memref<2x10000x128xf32, #tpu.memory_space<hbm>> -> memref<1x80x128xf32, #tpu.memory_space<hbm>>
        %dma_wait3A_95 = tpu.memref_squeeze %dma_wait3A_94 : memref<1x80x128xf32, #tpu.memory_space<hbm>> -> memref<80x128xf32, #tpu.memory_space<hbm>>
        %dma_wait3A_96 = arith.constant 0 : i32
        %dma_wait3A_97 = tpu.memref_slice %arg7[%arg0, %multiple_of3A_78, %dma_wait3A_96] : memref<2x10000x128xf32, #tpu.memory_space<hbm>> -> memref<1x80x128xf32, #tpu.memory_space<hbm>>
        %dma_wait3A_98 = tpu.memref_squeeze %dma_wait3A_97 : memref<1x80x128xf32, #tpu.memory_space<hbm>> -> memref<80x128xf32, #tpu.memory_space<hbm>>
        %dma_wait3A_99 = arith.constant 0 : i32
        %dma_wait3A_100 = arith.constant 0 : i32
        %dma_wait3A_101 = tpu.memref_slice %arg15[%dma_wait3A_99, %dma_wait3A_100] : memref<88x128xf32, #tpu.memory_space<vmem>> -> memref<80x128xf32, #tpu.memory_space<vmem>>
        tpu.wait_dma2 semaphore(%run_scoped3A : memref<!tpu.dma_semaphore, #tpu.memory_space<semaphore_mem>>) src(%dma_wait3A_101 : memref<80x128xf32, #tpu.memory_space<vmem>>) dst(%dma_wait3A_98 : memref<80x128xf32, #tpu.memory_space<hbm>>)
        tpu.yield
      }) : () -> ()
    }
    %while3A_71 = arith.constant 1 : i32
    scf.for %while3A_72 = %while3A_69 to %while3A_65 step %while3A_71  : i32 {
      %mul3A_73 = arith.constant 16 : i32
      %mul3A_74 = arith.muli %mul3A_73, %while3A_72 : i32
      %add3A_75 = arith.addi %arg1, %mul3A_74 : i32
      %mul3A_76 = arith.constant 80 : i32
      %mul3A_77 = arith.muli %add3A_75, %mul3A_76 : i32
      %multiple_of3A_78 = tpu.assume_multiple %mul3A_77, 8 : i32
      "tpu.region"() ({
        %run_scoped3A = tpu.sem_alloc : memref<!tpu.dma_semaphore, #tpu.memory_space<semaphore_mem>>
        %dma_start3A_79 = arith.constant 0 : i32
        %dma_start3A_80 = arith.constant 0 : i32
        %dma_start3A_81 = tpu.memref_slice %arg15[%dma_start3A_79, %dma_start3A_80] : memref<88x128xf32, #tpu.memory_space<vmem>> -> memref<80x128xf32, #tpu.memory_space<vmem>>
        %dma_start3A_82 = arith.constant 0 : i32
        %dma_start3A_83 = tpu.memref_slice %arg19[%multiple_of3A_78, %dma_start3A_82] : memref<10008x128xf32, #tpu.memory_space<vmem_shared>> -> memref<80x128xf32, #tpu.memory_space<vmem_shared>>
        %dma_start3A_84 = arith.constant 0 : i32
        %dma_start3A_85 = arith.constant 0 : i32
        %dma_start3A_86 = tpu.memref_slice %arg15[%dma_start3A_84, %dma_start3A_85] : memref<88x128xf32, #tpu.memory_space<vmem>> -> memref<80x128xf32, #tpu.memory_space<vmem>>
        %dma_start3A_87 = arith.constant 0 : i32
        %dma_start3A_88 = tpu.memref_slice %arg19[%multiple_of3A_78, %dma_start3A_87] : memref<10008x128xf32, #tpu.memory_space<vmem_shared>> -> memref<80x128xf32, #tpu.memory_space<vmem_shared>>
        tpu.enqueue_dma source(%dma_start3A_88 : memref<80x128xf32, #tpu.memory_space<vmem_shared>>) target(%dma_start3A_86 : memref<80x128xf32, #tpu.memory_space<vmem>>) target_semaphore(%run_scoped3A : memref<!tpu.dma_semaphore, #tpu.memory_space<semaphore_mem>>)
        %dma_wait3A = arith.constant 0 : i32
        %dma_wait3A_89 = arith.constant 0 : i32
        %dma_wait3A_90 = tpu.memref_slice %arg15[%dma_wait3A, %dma_wait3A_89] : memref<88x128xf32, #tpu.memory_space<vmem>> -> memref<80x128xf32, #tpu.memory_space<vmem>>
        %dma_wait3A_91 = arith.constant 0 : i32
        %dma_wait3A_92 = tpu.memref_slice %arg19[%multiple_of3A_78, %dma_wait3A_91] : memref<10008x128xf32, #tpu.memory_space<vmem_shared>> -> memref<80x128xf32, #tpu.memory_space<vmem_shared>>
        %dma_wait3A_93 = arith.constant 0 : i32
        %dma_wait3A_94 = arith.constant 0 : i32
        %dma_wait3A_95 = tpu.memref_slice %arg15[%dma_wait3A_93, %dma_wait3A_94] : memref<88x128xf32, #tpu.memory_space<vmem>> -> memref<80x128xf32, #tpu.memory_space<vmem>>
        %dma_wait3A_96 = arith.constant 0 : i32
        %dma_wait3A_97 = tpu.memref_slice %arg19[%multiple_of3A_78, %dma_wait3A_96] : memref<10008x128xf32, #tpu.memory_space<vmem_shared>> -> memref<80x128xf32, #tpu.memory_space<vmem_shared>>
        tpu.wait_dma2 semaphore(%run_scoped3A : memref<!tpu.dma_semaphore, #tpu.memory_space<semaphore_mem>>) src(%dma_wait3A_97 : memref<80x128xf32, #tpu.memory_space<vmem_shared>>) dst(%dma_wait3A_95 : memref<80x128xf32, #tpu.memory_space<vmem>>)
        tpu.yield
      }) : () -> ()
      "tpu.region"() ({
        %run_scoped3A = tpu.sem_alloc : memref<!tpu.dma_semaphore, #tpu.memory_space<semaphore_mem>>
        %dma_start3A_79 = arith.constant 0 : i32
        %dma_start3A_80 = arith.constant 0 : i32
        %dma_start3A_81 = tpu.memref_slice %arg15[%dma_start3A_79, %dma_start3A_80] : memref<88x128xf32, #tpu.memory_space<vmem>> -> memref<80x128xf32, #tpu.memory_space<vmem>>
        %dma_start3A_82 = arith.constant 0 : i32
        %dma_start3A_83 = tpu.memref_slice %arg7[%arg0, %multiple_of3A_78, %dma_start3A_82] : memref<2x10000x128xf32, #tpu.memory_space<hbm>> -> memref<1x80x128xf32, #tpu.memory_space<hbm>>
        %dma_start3A_84 = tpu.memref_squeeze %dma_start3A_83 : memref<1x80x128xf32, #tpu.memory_space<hbm>> -> memref<80x128xf32, #tpu.memory_space<hbm>>
        %dma_start3A_85 = arith.constant 0 : i32
        %dma_start3A_86 = tpu.memref_slice %arg7[%arg0, %multiple_of3A_78, %dma_start3A_85] : memref<2x10000x128xf32, #tpu.memory_space<hbm>> -> memref<1x80x128xf32, #tpu.memory_space<hbm>>
        %dma_start3A_87 = tpu.memref_squeeze %dma_start3A_86 : memref<1x80x128xf32, #tpu.memory_space<hbm>> -> memref<80x128xf32, #tpu.memory_space<hbm>>
        %dma_start3A_88 = arith.constant 0 : i32
        %dma_start3A_89 = arith.constant 0 : i32
        %dma_start3A_90 = tpu.memref_slice %arg15[%dma_start3A_88, %dma_start3A_89] : memref<88x128xf32, #tpu.memory_space<vmem>> -> memref<80x128xf32, #tpu.memory_space<vmem>>
        tpu.enqueue_dma source(%dma_start3A_90 : memref<80x128xf32, #tpu.memory_space<vmem>>) target(%dma_start3A_87 : memref<80x128xf32, #tpu.memory_space<hbm>>) target_semaphore(%run_scoped3A : memref<!tpu.dma_semaphore, #tpu.memory_space<semaphore_mem>>)
        %dma_wait3A = arith.constant 0 : i32
        %dma_wait3A_91 = arith.constant 0 : i32
        %dma_wait3A_92 = tpu.memref_slice %arg15[%dma_wait3A, %dma_wait3A_91] : memref<88x128xf32, #tpu.memory_space<vmem>> -> memref<80x128xf32, #tpu.memory_space<vmem>>
        %dma_wait3A_93 = arith.constant 0 : i32
        %dma_wait3A_94 = tpu.memref_slice %arg7[%arg0, %multiple_of3A_78, %dma_wait3A_93] : memref<2x10000x128xf32, #tpu.memory_space<hbm>> -> memref<1x80x128xf32, #tpu.memory_space<hbm>>
        %dma_wait3A_95 = tpu.memref_squeeze %dma_wait3A_94 : memref<1x80x128xf32, #tpu.memory_space<hbm>> -> memref<80x128xf32, #tpu.memory_space<hbm>>
        %dma_wait3A_96 = arith.constant 0 : i32
        %dma_wait3A_97 = tpu.memref_slice %arg7[%arg0, %multiple_of3A_78, %dma_wait3A_96] : memref<2x10000x128xf32, #tpu.memory_space<hbm>> -> memref<1x80x128xf32, #tpu.memory_space<hbm>>
        %dma_wait3A_98 = tpu.memref_squeeze %dma_wait3A_97 : memref<1x80x128xf32, #tpu.memory_space<hbm>> -> memref<80x128xf32, #tpu.memory_space<hbm>>
        %dma_wait3A_99 = arith.constant 0 : i32
        %dma_wait3A_100 = arith.constant 0 : i32
        %dma_wait3A_101 = tpu.memref_slice %arg15[%dma_wait3A_99, %dma_wait3A_100] : memref<88x128xf32, #tpu.memory_space<vmem>> -> memref<80x128xf32, #tpu.memory_space<vmem>>
        tpu.wait_dma2 semaphore(%run_scoped3A : memref<!tpu.dma_semaphore, #tpu.memory_space<semaphore_mem>>) src(%dma_wait3A_101 : memref<80x128xf32, #tpu.memory_space<vmem>>) dst(%dma_wait3A_98 : memref<80x128xf32, #tpu.memory_space<hbm>>)
        tpu.yield
      }) : () -> ()
    }
    return
  }
}

module attributes {stable_mosaic.version = 14 : i64} {
  func.func @_tc_body(%arg0: i32, %arg1: memref<1000x256xf32, #tpu.memory_space<vmem>>, %arg2: memref<1000x128xf32, #tpu.memory_space<vmem>>, %arg3: memref<1000x128xf32, #tpu.memory_space<vmem>>, %arg4: memref<1000x32xf32, #tpu.memory_space<vmem>>, %arg5: memref<256x256xf32, #tpu.memory_space<vmem>>, %arg6: memref<256xf32, #tpu.memory_space<vmem>>, %arg7: memref<256x256xf32, #tpu.memory_space<vmem>>, %arg8: memref<256x128xf32, #tpu.memory_space<vmem>>, %arg9: memref<128xf32, #tpu.memory_space<vmem>>, %arg10: memref<128x64xf32, #tpu.memory_space<vmem>>, %arg11: memref<64xf32, #tpu.memory_space<vmem>>, %arg12: memref<64x32xf32, #tpu.memory_space<vmem>>, %arg13: memref<32xf32, #tpu.memory_space<vmem>>, %arg14: memref<32x128xf32, #tpu.memory_space<vmem>>, %arg15: memref<128xf32, #tpu.memory_space<vmem>>, %arg16: memref<1000x128xf32, #tpu.memory_space<vmem>>) attributes {dimension_semantics = [#tpu.dimension_semantics<arbitrary>], iteration_bounds = array<i64: 10>, scalar_prefetch = 0 : i64, scratch_operands = 0 : i64, tpu.core_type = #tpu.core_type<tc>, window_params = [{transform_indices = @transform_0, window_bounds = array<i64: 1000, 256>}, {transform_indices = @transform_1, window_bounds = array<i64: 1000, 128>}, {transform_indices = @transform_2, window_bounds = array<i64: 1000, 128>}, {transform_indices = @transform_3, window_bounds = array<i64: 1000, 32>}, {pipeline_mode = #tpu.pipeline_mode<synchronous>, transform_indices = @transform_4, window_bounds = array<i64: 256, 256>}, {pipeline_mode = #tpu.pipeline_mode<synchronous>, transform_indices = @transform_5, window_bounds = array<i64: 256>}, {pipeline_mode = #tpu.pipeline_mode<synchronous>, transform_indices = @transform_6, window_bounds = array<i64: 256, 256>}, {pipeline_mode = #tpu.pipeline_mode<synchronous>, transform_indices = @transform_7, window_bounds = array<i64: 256, 128>}, {pipeline_mode = #tpu.pipeline_mode<synchronous>, transform_indices = @transform_8, window_bounds = array<i64: 128>}, {pipeline_mode = #tpu.pipeline_mode<synchronous>, transform_indices = @transform_9, window_bounds = array<i64: 128, 64>}, {pipeline_mode = #tpu.pipeline_mode<synchronous>, transform_indices = @transform_10, window_bounds = array<i64: 64>}, {pipeline_mode = #tpu.pipeline_mode<synchronous>, transform_indices = @transform_11, window_bounds = array<i64: 64, 32>}, {pipeline_mode = #tpu.pipeline_mode<synchronous>, transform_indices = @transform_12, window_bounds = array<i64: 32>}, {pipeline_mode = #tpu.pipeline_mode<synchronous>, transform_indices = @transform_13, window_bounds = array<i64: 32, 128>}, {pipeline_mode = #tpu.pipeline_mode<synchronous>, transform_indices = @transform_14, window_bounds = array<i64: 128>}, {transform_indices = @transform_15, window_bounds = array<i64: 1000, 128>}]} {
    %get3A = arith.constant 0 : index
    %get3A_0 = arith.constant 0 : index
    %get3A_1 = vector.load %arg4[%get3A, %get3A_0] : memref<1000x32xf32, #tpu.memory_space<vmem>>, vector<1000x32xf32>
    %reduce_sum3A = arith.constant dense<0.000000e+00> : vector<1000xf32>
    %reduce_sum3A_2 = vector.multi_reduction <add>, %get3A_1, %reduce_sum3A [1] : vector<1000x32xf32> to vector<1000xf32>
    %broadcast_in_dim3A = vector.shape_cast %reduce_sum3A_2 : vector<1000xf32> to vector<1000x1xf32>
    %mul3A = arith.constant 5.000000e-01 : f32
    %mul3A_3 = vector.broadcast %mul3A : f32 to vector<1000x1xf32>
    %mul3A_4 = arith.mulf %broadcast_in_dim3A, %mul3A_3 : vector<1000x1xf32>
    %max3A = arith.constant 1.000000e+00 : f32
    %max3A_5 = vector.broadcast %max3A : f32 to vector<1000x1xf32>
    %max3A_6 = arith.maximumf %mul3A_4, %max3A_5 : vector<1000x1xf32>
    %div3A = arith.constant 1.000000e+00 : f32
    %div3A_7 = vector.broadcast %div3A : f32 to vector<1000x1xf32>
    %div3A_8 = arith.divf %div3A_7, %max3A_6 : vector<1000x1xf32>
    %get3A_9 = arith.constant 0 : index
    %get3A_10 = arith.constant 0 : index
    %get3A_11 = vector.load %arg2[%get3A_9, %get3A_10] : memref<1000x128xf32, #tpu.memory_space<vmem>>, vector<1000x128xf32>
    %mul3A_12 = vector.broadcast %div3A_8 : vector<1000x1xf32> to vector<1000x128xf32>
    %mul3A_13 = arith.mulf %get3A_11, %mul3A_12 : vector<1000x128xf32>
    %get3A_14 = arith.constant 0 : index
    %get3A_15 = arith.constant 0 : index
    %get3A_16 = vector.load %arg3[%get3A_14, %get3A_15] : memref<1000x128xf32, #tpu.memory_space<vmem>>, vector<1000x128xf32>
    %mul3A_17 = vector.broadcast %div3A_8 : vector<1000x1xf32> to vector<1000x128xf32>
    %mul3A_18 = arith.mulf %get3A_16, %mul3A_17 : vector<1000x128xf32>
    %concatenate3A = tpu.concatenate %mul3A_13, %mul3A_18 in 1 : vector<1000x128xf32>, vector<1000x128xf32> -> vector<1000x256xf32>
    %get3A_19 = arith.constant 0 : index
    %get3A_20 = arith.constant 0 : index
    %get3A_21 = vector.load %arg5[%get3A_19, %get3A_20] : memref<256x256xf32, #tpu.memory_space<vmem>>, vector<256x256xf32>
    %dot_general3A = arith.constant dense<0.000000e+00> : vector<1000x256xf32>
    %dot_general3A_22 = tpu.matmul %concatenate3A, %get3A_21, %dot_general3A {dimension_numbers = #tpu.dot_dimension_numbers<[1], [0], [0], [1], [0, 0, 1, 1], [], []>, transpose_lhs_hint = false} : vector<1000x256xf32>, vector<256x256xf32>, vector<1000x256xf32> -> vector<1000x256xf32>
    %get3A_23 = arith.constant 0 : index
    %get3A_24 = arith.constant 0 : index
    %get3A_25 = vector.load %arg1[%get3A_23, %get3A_24] : memref<1000x256xf32, #tpu.memory_space<vmem>>, vector<1000x256xf32>
    %get3A_26 = arith.constant 0 : index
    %get3A_27 = arith.constant 0 : index
    %get3A_28 = vector.load %arg7[%get3A_26, %get3A_27] : memref<256x256xf32, #tpu.memory_space<vmem>>, vector<256x256xf32>
    %dot_general3A_29 = arith.constant dense<0.000000e+00> : vector<1000x256xf32>
    %dot_general3A_30 = tpu.matmul %get3A_25, %get3A_28, %dot_general3A_29 {dimension_numbers = #tpu.dot_dimension_numbers<[1], [0], [0], [1], [0, 0, 1, 1], [], []>, transpose_lhs_hint = false} : vector<1000x256xf32>, vector<256x256xf32>, vector<1000x256xf32> -> vector<1000x256xf32>
    %add3A = arith.addf %dot_general3A_22, %dot_general3A_30 : vector<1000x256xf32>
    %get3A_31 = arith.constant 0 : index
    %get3A_32 = vector.load %arg6[%get3A_31] : memref<256xf32, #tpu.memory_space<vmem>>, vector<256xf32>
    %broadcast_in_dim3A_33 = vector.shape_cast %get3A_32 : vector<256xf32> to vector<1x256xf32>
    %add3A_34 = vector.broadcast %broadcast_in_dim3A_33 : vector<1x256xf32> to vector<1000x256xf32>
    %add3A_35 = arith.addf %add3A, %add3A_34 : vector<1000x256xf32>
    %max3A_36 = arith.constant 0.000000e+00 : f32
    %max3A_37 = vector.broadcast %max3A_36 : f32 to vector<1000x256xf32>
    %max3A_38 = arith.maximumf %add3A_35, %max3A_37 : vector<1000x256xf32>
    %get3A_39 = arith.constant 0 : index
    %get3A_40 = arith.constant 0 : index
    %get3A_41 = vector.load %arg8[%get3A_39, %get3A_40] : memref<256x128xf32, #tpu.memory_space<vmem>>, vector<256x128xf32>
    %dot_general3A_42 = arith.constant dense<0.000000e+00> : vector<1000x128xf32>
    %dot_general3A_43 = tpu.matmul %max3A_38, %get3A_41, %dot_general3A_42 {dimension_numbers = #tpu.dot_dimension_numbers<[1], [0], [0], [1], [0, 0, 1, 1], [], []>, transpose_lhs_hint = false} : vector<1000x256xf32>, vector<256x128xf32>, vector<1000x128xf32> -> vector<1000x128xf32>
    %get3A_44 = arith.constant 0 : index
    %get3A_45 = vector.load %arg9[%get3A_44] : memref<128xf32, #tpu.memory_space<vmem>>, vector<128xf32>
    %broadcast_in_dim3A_46 = vector.shape_cast %get3A_45 : vector<128xf32> to vector<1x128xf32>
    %add3A_47 = vector.broadcast %broadcast_in_dim3A_46 : vector<1x128xf32> to vector<1000x128xf32>
    %add3A_48 = arith.addf %dot_general3A_43, %add3A_47 : vector<1000x128xf32>
    %max3A_49 = arith.constant 0.000000e+00 : f32
    %max3A_50 = vector.broadcast %max3A_49 : f32 to vector<1000x128xf32>
    %max3A_51 = arith.maximumf %add3A_48, %max3A_50 : vector<1000x128xf32>
    %get3A_52 = arith.constant 0 : index
    %get3A_53 = arith.constant 0 : index
    %get3A_54 = vector.load %arg10[%get3A_52, %get3A_53] : memref<128x64xf32, #tpu.memory_space<vmem>>, vector<128x64xf32>
    %dot_general3A_55 = arith.constant dense<0.000000e+00> : vector<1000x64xf32>
    %dot_general3A_56 = tpu.matmul %max3A_51, %get3A_54, %dot_general3A_55 {dimension_numbers = #tpu.dot_dimension_numbers<[1], [0], [0], [1], [0, 0, 1, 1], [], []>, transpose_lhs_hint = false} : vector<1000x128xf32>, vector<128x64xf32>, vector<1000x64xf32> -> vector<1000x64xf32>
    %get3A_57 = arith.constant 0 : index
    %get3A_58 = vector.load %arg11[%get3A_57] : memref<64xf32, #tpu.memory_space<vmem>>, vector<64xf32>
    %broadcast_in_dim3A_59 = vector.shape_cast %get3A_58 : vector<64xf32> to vector<1x64xf32>
    %add3A_60 = vector.broadcast %broadcast_in_dim3A_59 : vector<1x64xf32> to vector<1000x64xf32>
    %add3A_61 = arith.addf %dot_general3A_56, %add3A_60 : vector<1000x64xf32>
    %max3A_62 = arith.constant 0.000000e+00 : f32
    %max3A_63 = vector.broadcast %max3A_62 : f32 to vector<1000x64xf32>
    %max3A_64 = arith.maximumf %add3A_61, %max3A_63 : vector<1000x64xf32>
    %get3A_65 = arith.constant 0 : index
    %get3A_66 = arith.constant 0 : index
    %get3A_67 = vector.load %arg12[%get3A_65, %get3A_66] : memref<64x32xf32, #tpu.memory_space<vmem>>, vector<64x32xf32>
    %dot_general3A_68 = arith.constant dense<0.000000e+00> : vector<1000x32xf32>
    %dot_general3A_69 = tpu.matmul %max3A_64, %get3A_67, %dot_general3A_68 {dimension_numbers = #tpu.dot_dimension_numbers<[1], [0], [0], [1], [0, 0, 1, 1], [], []>, transpose_lhs_hint = false} : vector<1000x64xf32>, vector<64x32xf32>, vector<1000x32xf32> -> vector<1000x32xf32>
    %get3A_70 = arith.constant 0 : index
    %get3A_71 = vector.load %arg13[%get3A_70] : memref<32xf32, #tpu.memory_space<vmem>>, vector<32xf32>
    %broadcast_in_dim3A_72 = vector.shape_cast %get3A_71 : vector<32xf32> to vector<1x32xf32>
    %add3A_73 = vector.broadcast %broadcast_in_dim3A_72 : vector<1x32xf32> to vector<1000x32xf32>
    %add3A_74 = arith.addf %dot_general3A_69, %add3A_73 : vector<1000x32xf32>
    %max3A_75 = arith.constant 0.000000e+00 : f32
    %max3A_76 = vector.broadcast %max3A_75 : f32 to vector<1000x32xf32>
    %max3A_77 = arith.maximumf %add3A_74, %max3A_76 : vector<1000x32xf32>
    %get3A_78 = arith.constant 0 : index
    %get3A_79 = arith.constant 0 : index
    %get3A_80 = vector.load %arg14[%get3A_78, %get3A_79] : memref<32x128xf32, #tpu.memory_space<vmem>>, vector<32x128xf32>
    %dot_general3A_81 = arith.constant dense<0.000000e+00> : vector<1000x128xf32>
    %dot_general3A_82 = tpu.matmul %max3A_77, %get3A_80, %dot_general3A_81 {dimension_numbers = #tpu.dot_dimension_numbers<[1], [0], [0], [1], [0, 0, 1, 1], [], []>, transpose_lhs_hint = false} : vector<1000x32xf32>, vector<32x128xf32>, vector<1000x128xf32> -> vector<1000x128xf32>
    %get3A_83 = arith.constant 0 : index
    %get3A_84 = vector.load %arg15[%get3A_83] : memref<128xf32, #tpu.memory_space<vmem>>, vector<128xf32>
    %broadcast_in_dim3A_85 = vector.shape_cast %get3A_84 : vector<128xf32> to vector<1x128xf32>
    %add3A_86 = vector.broadcast %broadcast_in_dim3A_85 : vector<1x128xf32> to vector<1000x128xf32>
    %add3A_87 = arith.addf %dot_general3A_82, %add3A_86 : vector<1000x128xf32>
    %swap3A = arith.constant 0 : index
    %swap3A_88 = arith.constant 0 : index
    %swap3A_89 = vector.load %arg16[%swap3A, %swap3A_88] : memref<1000x128xf32, #tpu.memory_space<vmem>>, vector<1000x128xf32>
    tpu.vector_store %arg16[%swap3A, %swap3A_88], %add3A_87 {strides = array<i32>} : memref<1000x128xf32, #tpu.memory_space<vmem>>, vector<1000x128xf32>,
    return
  }
  func.func @transform_0(%arg0: i32) -> (i32, i32) {
    %c0_i32 = arith.constant 0 : i32
    %c0_i32_0 = arith.constant 0 : i32
    return %arg0, %c0_i32 : i32, i32
  }
  func.func @transform_1(%arg0: i32) -> (i32, i32) {
    %c0_i32 = arith.constant 0 : i32
    %c0_i32_0 = arith.constant 0 : i32
    return %arg0, %c0_i32 : i32, i32
  }
  func.func @transform_2(%arg0: i32) -> (i32, i32) {
    %c0_i32 = arith.constant 0 : i32
    %c0_i32_0 = arith.constant 0 : i32
    return %arg0, %c0_i32 : i32, i32
  }
  func.func @transform_3(%arg0: i32) -> (i32, i32) {
    %c0_i32 = arith.constant 0 : i32
    %c0_i32_0 = arith.constant 0 : i32
    return %arg0, %c0_i32 : i32, i32
  }
  func.func @transform_4(%arg0: i32) -> (i32, i32) {
    %c0_i32 = arith.constant 0 : i32
    %c0_i32_0 = arith.constant 0 : i32
    %c0_i32_1 = arith.constant 0 : i32
    return %c0_i32, %c0_i32_0 : i32, i32
  }
  func.func @transform_5(%arg0: i32) -> i32 {
    %c0_i32 = arith.constant 0 : i32
    %c0_i32_0 = arith.constant 0 : i32
    return %c0_i32 : i32
  }
  func.func @transform_6(%arg0: i32) -> (i32, i32) {
    %c0_i32 = arith.constant 0 : i32
    %c0_i32_0 = arith.constant 0 : i32
    %c0_i32_1 = arith.constant 0 : i32
    return %c0_i32, %c0_i32_0 : i32, i32
  }
  func.func @transform_7(%arg0: i32) -> (i32, i32) {
    %c0_i32 = arith.constant 0 : i32
    %c0_i32_0 = arith.constant 0 : i32
    %c0_i32_1 = arith.constant 0 : i32
    return %c0_i32, %c0_i32_0 : i32, i32
  }
  func.func @transform_8(%arg0: i32) -> i32 {
    %c0_i32 = arith.constant 0 : i32
    %c0_i32_0 = arith.constant 0 : i32
    return %c0_i32 : i32
  }
  func.func @transform_9(%arg0: i32) -> (i32, i32) {
    %c0_i32 = arith.constant 0 : i32
    %c0_i32_0 = arith.constant 0 : i32
    %c0_i32_1 = arith.constant 0 : i32
    return %c0_i32, %c0_i32_0 : i32, i32
  }
  func.func @transform_10(%arg0: i32) -> i32 {
    %c0_i32 = arith.constant 0 : i32
    %c0_i32_0 = arith.constant 0 : i32
    return %c0_i32 : i32
  }
  func.func @transform_11(%arg0: i32) -> (i32, i32) {
    %c0_i32 = arith.constant 0 : i32
    %c0_i32_0 = arith.constant 0 : i32
    %c0_i32_1 = arith.constant 0 : i32
    return %c0_i32, %c0_i32_0 : i32, i32
  }
  func.func @transform_12(%arg0: i32) -> i32 {
    %c0_i32 = arith.constant 0 : i32
    %c0_i32_0 = arith.constant 0 : i32
    return %c0_i32 : i32
  }
  func.func @transform_13(%arg0: i32) -> (i32, i32) {
    %c0_i32 = arith.constant 0 : i32
    %c0_i32_0 = arith.constant 0 : i32
    %c0_i32_1 = arith.constant 0 : i32
    return %c0_i32, %c0_i32_0 : i32, i32
  }
  func.func @transform_14(%arg0: i32) -> i32 {
    %c0_i32 = arith.constant 0 : i32
    %c0_i32_0 = arith.constant 0 : i32
    return %c0_i32 : i32
  }
  func.func @transform_15(%arg0: i32) -> (i32, i32) {
    %c0_i32 = arith.constant 0 : i32
    %c0_i32_0 = arith.constant 0 : i32
    return %arg0, %c0_i32 : i32, i32
  }
}

</mosaic_0001>

<sc_bundles>
// kernel: sage_sc_aggregate.3.cloned.1.call-start
scs
__scs_entry_jumppad:
0x0: {  	(pc) =	sbr.rel $0x88, $3  }
0x1: {  	(tag) =	ssettag $0x0;
	lr =	simm.s32 $0x1  }
0x2: {  	[smem:$0x3F94] =	sst lr;
	_ =	strace $0xD0000000  }
0x3: {  	_ = 	snop  }
0x4: {  	_ = 	snop  }
0x5: {  	_ = 	snop  }
0x6: {  	_ = 	snop  }
0x7: {  	_ = 	snop  }
__scs_overlays_trampoline_lowered:
0x8: {  	[smem:$0x3FA3] =	sst s0  }
0x9: {  	[smem:$0x3FA4] =	sst s1  }
0xa: {  	[smem:$0x3FA5] =	sst s2  }
0xb: {  	[smem:$0x3FA6] =	sst s3  }
0xc: {  	[smem:$0x3FA7] =	sst s4  }
0xd: {  	[smem:$0x3FA8] =	sst s5  }
0xe: {  	[smem:$0x3FA9] =	sst s6  }
0xf: {  	[smem:$0x3FAA] =	sst s7  }
0x10: {  	[smem:$0x3FAB] =	sst s8  }
0x11: {  	[smem:$0x3FAC] =	sst s9;
	s0 =	simm.s32 @!p0 $0x0  }
0x12: {  	s1 =	sld [smem:$0x3F92];
	s0 =	simm.s32 @p0 $0x1  }
0x13: {  	[smem:$0x3FAD] =	sst s0;
	s0 =	simm.s32 @!p1 $0x0  }
0x14: {  	s2 =	sld [smem:$0x3F91];
	s0 =	simm.s32 @p1 $0x1  }
0x15: {  	[smem:$0x3FAE] =	sst s0;
	s0 =	simm.s32 @!p2 $0x0  }
0x16: {  	s3 =	sld [smem:$0x3FDB];
	s0 =	simm.s32 @p2 $0x1  }
0x17: {  	s4 =	simm.s32 $0x1BF5;
	[smem:$0x3FB0] =	sst s0  }
0x18: {  	s0 =	sld [smem:$0x3F93];
	_ =	swait.ge [sflag:s4], $0x0  }
0x19: {  	s7 =	sld [smem:$0x3F94]  }
0x1a: {  	s8 =	sadd.s32 $0xFFFFE003, lr  }
0x1b: {  	s9 =	sadd.s32 $0xFFFFFEF7, lr;
	s5 =	simm.s32 $0xFFFFFFFF;
	p2 =	slt.u32 s8, $0xFFFFF086  }
0x1c: {  	p1 =	slt.u32 s9, $0xF7A;
	s5 =	simm.s32 @!p2 $0x0  }
0x1d: {  	s5 =	simm.s32 @p1 $0x1;
	p0 =	seq.s32 s7, s2  }
0x1e: {  	s7 =	smul.u32 @!p0 $0xF7A, s2;
	p2 =	seq.s32 @!p0 s5, $0x0  }
0x1f: {  	s9 =	smul.u32 $0xF7A, s1;
	s8 =	simm.s32 @!p0 $0x1BF5;
	p2 =	por !p2, p0  }
0x20: {  	[sflag:s8] =	ssyncset.s32 @!p0 $0xFFFFF086;
	s6 =	sadd.s32 @!p0 s3, s7;
	s7 =	simm.s32 @!p0 $0x108  }
0x21: {  	s3 =	sadd.s32 s3, s9;
	s6 =	sadd.s32 @!p0 $0x88, s6;
	s7 =	simm.s32 @p2 $0x1082  }
0x22: {  	[simem:s7], [sflag:s8] =	dma.local @!p0 [hbm:s6], $0xF7A  }
0x23: {  	s9 =	sor.u32 $0xD0000000, s2;
	s6 =	simm.s32 $0x108;
	_ =	swait.ge @!p0 [sflag:s8], $0x0  }
0x24: {  	s3 =	sadd.s32 $0x88, s3;
	s6 =	simm.s32 @!p1 $0x1082;
	[sflag:s4] =	ssyncset.s32 $0xFFFFF086  }
0x25: {  	[simem:s6], [sflag:s4] =	dma.local [hbm:s3], $0xF7A  }
0x26: {  	[smem:$0x3F94] =	sst s1;
	(tag) =	ssettag s2;
	_ =	strace s9  }
0x27: {  	s1 =	sld [smem:$0x3FA4]  }
0x28: {  	s2 =	sld [smem:$0x3FA5]  }
0x29: {  	s4 =	sld [smem:$0x3FA7]  }
0x2a: {  	p0 =	seq.s32 s5, $0x0;
	s5 =	sld [smem:$0x3FA8]  }
0x2b: {  	s6 =	sld [smem:$0x3FA9]  }
0x2c: {  	s7 =	sld [smem:$0x3FAA]  }
0x2d: {  	s3 =	simm.s32 $0x108;
	s8 =	sld [smem:$0x3FAB]  }
0x2e: {  	s3 =	simm.s32 @!p0 $0x1082;
	s9 =	sld [smem:$0x3FAC]  }
0x2f: {  	lr =	sadd.s32 s0, s3;
	s0 =	sld [smem:$0x3FA3]  }
0x30: {  	s3 =	sld [smem:$0x3FA6]  }
0x31: {  	[smem:$0x3FAF] =	sst s10  }
0x32: {  	s10 =	sld [smem:$0x3FAD];
	_ =	sdelay $0x3  }
0x33: {  	p0 =	seq.s32 s10, $0x1;
	s10 =	sld [smem:$0x3FAF];
	_ =	sdelay $0x3  }
0x34: {  	[smem:$0x3FAF] =	sst s10  }
0x35: {  	s10 =	sld [smem:$0x3FAE];
	_ =	sdelay $0x3  }
0x36: {  	p1 =	seq.s32 s10, $0x1;
	s10 =	sld [smem:$0x3FAF];
	_ =	sdelay $0x3  }
0x37: {  	[smem:$0x3FAF] =	sst s10  }
0x38: {  	s10 =	sld [smem:$0x3FB0]  }
0x39: {  	_ = 	snop;
	(pc) =	sbr.ind lr, $3  }
0x3a: {  	_ = 	snop  }
0x3b: {  	_ = 	snop  }
0x3c: {  	p2 =	seq.s32 s10, $0x1;
	s10 =	sld [smem:$0x3FAF]  }
0x3d: {  	_ =	shalt  }
0x3e: {  	_ =	shalt  }
0x3f: {  	_ =	shalt  }
0x40: {  	_ =	shalt  }
0x41: {  	_ =	shalt  }
0x42: {  	_ =	shalt  }
0x43: {  	_ =	shalt  }
0x44: {  	_ =	shalt  }
0x45: {  	_ =	shalt  }
0x46: {  	_ =	shalt  }
0x47: {  	_ =	shalt  }
0x48: {  	_ =	shalt  }
0x49: {  	_ =	shalt  }
0x4a: {  	_ =	shalt  }
0x4b: {  	_ =	shalt  }
0x4c: {  	_ =	shalt  }
0x4d: {  	_ =	shalt  }
0x4e: {  	_ =	shalt  }
0x4f: {  	_ =	shalt  }
0x50: {  	_ =	shalt  }
0x51: {  	_ =	shalt  }
0x52: {  	_ =	shalt  }
0x53: {  	_ =	shalt  }
0x54: {  	_ =	shalt  }
0x55: {  	_ =	shalt  }
0x56: {  	_ =	shalt  }
0x57: {  	_ =	shalt  }
0x58: {  	_ =	shalt  }
0x59: {  	_ =	shalt  }
0x5a: {  	_ =	shalt  }
0x5b: {  	_ =	shalt  }
0x5c: {  	_ =	shalt  }
0x5d: {  	_ =	shalt  }
0x5e: {  	_ =	shalt  }
0x5f: {  	_ =	shalt  }
0x60: {  	_ =	shalt  }
0x61: {  	_ =	shalt  }
0x62: {  	_ =	shalt  }
0x63: {  	_ =	shalt  }
0x64: {  	_ =	shalt  }
0x65: {  	_ =	shalt  }
0x66: {  	_ =	shalt  }
0x67: {  	_ =	shalt  }
0x68: {  	_ =	shalt  }
0x69: {  	_ =	shalt  }
0x6a: {  	_ =	shalt  }
0x6b: {  	_ =	shalt  }
0x6c: {  	_ =	shalt  }
0x6d: {  	_ =	shalt  }
0x6e: {  	_ =	shalt  }
0x6f: {  	_ =	shalt  }
0x70: {  	_ =	shalt  }
0x71: {  	_ =	shalt  }
0x72: {  	_ =	shalt  }
0x73: {  	_ =	shalt  }
0x74: {  	_ =	shalt  }
0x75: {  	_ =	shalt  }
0x76: {  	_ =	shalt  }
0x77: {  	_ =	shalt  }
0x78: {  	_ =	shalt  }
0x79: {  	_ =	shalt  }
0x7a: {  	_ =	shalt  }
0x7b: {  	_ =	shalt  }
0x7c: {  	_ =	shalt  }
0x7d: {  	_ =	shalt  }
0x7e: {  	_ =	shalt  }
0x7f: {  	_ =	shalt  }
0x80: {  	_ =	shalt  }
0x81: {  	_ =	shalt  }
0x82: {  	_ =	shalt  }
0x83: {  	_ =	shalt  }
0x84: {  	_ =	shalt  }
0x85: {  	_ =	shalt  }
0x86: {  	_ =	shalt  }
0x87: {  	_ =	shalt  }
.Lfunc_end0:
.L_simem_size_0:
called_computation_lowered:
.L_overlay_start_0:
0x88: {  	s2 =	sld [smem:$0x3FD9]  }
0x89: {  	s3 =	sld [smem:$0x3FFE];
	_ =	sdelay $0x1  }
0x8a: {  	s1 =	srdreg.scid  }
0x8b: {  	s0 =	sand.u32 $0x1, s1  }
0x8c: {  	s17 =	sshll.u32 s0, $0xA;
	s2 =	sadd.s32 s3, s2  }
0x8d: {  	s2 =	sadd.s32 s2, s17  }
0x8e: {  	[smem:$0x3FBB] =	sst s2  }
0x8f: {  	_ = 	snop  }
0x90: {  	s2 =	sld [smem:$0x3FD0];
	(tm) =	ssettm $0x1  }
0x91: {  	s18 =	sld [smem:$0x3FFB];
	_ =	sdelay $0x3  }
0x92: {  	_ =	strace s18  }
0x93: {  	s3 =	sld [smem:$0x3FFC];
	_ =	sdelay $0x3  }
0x94: {  	_ =	strace s3  }
0x95: {  	s3 =	sld [smem:$0x3FFD];
	_ =	sdelay $0x3  }
0x96: {  	_ =	strace s3  }
0x97: {  	_ =	strace $0x8FFFFFFF  }
0x98: {  	s19 =	sld [smem:$0x3FDB];
	_ =	sdelay $0x1  }
0x99: {  	s4 =	simm.s32 $_scs_section_size  }
0x9a: {  	s5 =	simm.s32 $_size__tile_overlayer_lowered;
	s6 =	simm.s32 $_tile_overlayer_lowered  }
0x9b: {  	s22 =	simm.s32 $0x1BFF;
	s21 =	sshll.u32 s6, $0x1;
	s3 =	sadd.s32 s4, s19  }
0x9c: {  	s7 =	simm.s32 $0x0;
	s20 =	sshll.u32 s5, $0x1;
	s5 =	sadd.s32 s21, s3  }
0x9d: {  	[timem:s7], [sflag:s22] =	dma.local [hbm:s5], s20  }
0x9e: {  	_ =	swait.ge [sflag:s22], s20  }
0x9f: {  	s4 =	ssub.s32 $0x0, s20;
	[sflag:s22] =	ssyncset.done $0x0  }
0xa0: {  	[sflag:s22] =	ssyncadd.s32 s4;
	_ =	sdelay $0x1  }
0xa1: {  	s23 =	simm.s32 $0x1B8B  }
0xa2: {  	_ =	swait.ge [sflag:s23], $0x1  }
0xa3: {  	[sflag:s23] =	ssyncset.done $0x0  }
0xa4: {  	s25 =	simm.s32 $0x1B8E;
	s24 =	sld [smem:$0x3FFE];
	[sflag:s23] =	ssyncadd.s32 $0xFFFFFFFF  }
0xa5: {  	s26 =	simm.s32 $execute0_lowered;
	[smem:$0x3FD2] =	sst s25  }
0xa6: {  	s5 =	sshll.u32 s26, $0x1;
	_ =	strace $0x80000046;
	[dreg:$0x1] =	wrdreg $0xFFFFFFFF  }
0xa7: {  	s28 =	simm.s32 $_size_execute0_lowered;
	s3 =	sadd.s32 s3, s5;
	[dreg:$0x0] =	wrdreg $0x0  }
0xa8: {  	s5 =	sshll.u32 s28, $0x1;
	[dreg:$0x2] =	wrdreg s3  }
0xa9: {  	[dreg:$0x3] =	wrdreg s5  }
0xaa: {  	[dreg:$0x4] =	wrdreg $0xC0  }
0xab: {  	_ =	task [dreg:s7], $0x5FFFF  }
0xac: {  	[dreg:$0x1] =	wrdreg $0xFFFFFFFF  }
0xad: {  	[dreg:$0x0] =	wrdreg $0x60  }
0xae: {  	[dreg:$0x2] =	wrdreg s24  }
0xaf: {  	[dreg:$0x3] =	wrdreg s2  }
0xb0: {  	[dreg:$0x4] =	wrdreg $0xAE800  }
0xb1: {  	[dreg:$0x5] =	wrdreg $0x9  }
0xb2: {  	_ =	task.clear_ibuf [dreg:s7], $0x6FFFF;
	_ =	strace $0x90000046  }
0xb3: {  	s29 =	simm.s32 $0x9;
	_ =	strace $0x80000048  }
0xb4: {  	_ =	swait.ge [sflag:s29], $0x1  }
0xb5: {  	[sflag:s29] =	ssyncadd.s32 $0xFFFFFFFF  }
0xb6: {  	_ =	strace $0x90000048  }
0xb7: {  	_ =	sfence  }
0xb8: {  	s30 =	sld [smem:$0x0];
	_ =	sdelay $0x2  }
0xb9: {  	s31 =	sshll.u32 s1, $0xD;
	s1 =	sshrl.u32 s1, $0x2  }
0xba: {  	s3 =	sand.u32 $0x4000, s31;
	s1 =	sadd.s32 s1, s30  }
0xbb: {  	s0 =	sor.u32 s3, s0;
	s1 =	sshll.u32 s1, $0x11  }
0xbc: {  	s0 =	sor.u32 s1, s0  }
0xbd: {  	s0 =	sadd.s32 $0x8F2B, s0  }
0xbe: {  	[sflag:s0] =	ssyncadd.remote.s32 $0x1  }
0xbf: {  	_ =	sfence.sel $0xFFFF  }
0xc0: {  	[dreg:$0x0] =	wrdreg $0xFFFFFFFF;
	(pc) =	sbr.abs _section_cstart, $3  }
0xc1: {  	[dreg:$0x1] =	wrdreg $0xFFFFFFFF  }
0xc2: {  	_ =	task.clear_ibuf [dreg:s7], $0x2FFFF;
	_ =	strace $0x9FFFFFFF  }
0xc3: {  	(tm) =	ssettm $0x7FFFFFFF  }
tec
execute0_lowered:
.L_overlay_start_1:
0x0: {  	(tag) =	ssettag $0x1  }
0x1: {  	s0 =	rddreg [dreg:$0x0]  }
0x2: {  	s2 =	rddreg [dreg:$0x2];
	s4 =	simm.s32 $0x0;
	s1 =	srdreg.scid  }
0x3: {  	s14 =	stileid.u32;
	s16 =	simm.s32 $0x8;
	s28 =	simm.s32 $0x180  }
0x4: {  	s29 =	simm.s32 $0x58;
	s30 =	simm.s32 $0x80;
	s31 =	simm.s32 $0x200  }
0x5: {  	[smem:$0x7FF] =	sst s4;
	s1 =	sand.u32 $0x1, s1;
	s7 =	sshrl.u32 s14, $0x3  }
0x6: {  	s5 =	sadd.s32 $0xBA00, s0;
	s6 =	sadd.s32 $0x1C00, s0;
	s11 =	smul.u32 $0x2730, s14  }
0x7: {  	s10 =	sadd.s32 $0x59C00, s0;
	s8 =	sadd.s32 $0x5EC00, s0;
	s13 =	smul.u32 $0xA000, s14  }
0x8: {  	s21 =	sshll.u32 s14, $0x7;
	p0 =	slt.u32 s14, $0xD;
	s3 =	smul.u32 $0x27800, s1  }
0x9: {  	_ =	strace $0x80000047;
	s7 =	smul.u32 $0x13C00, s7;
	[dreg:$0x4] =	wrdreg s8  }
0xa: {  	s22 =	sand.u32 $0x380, s21;
	s9 =	smul.u32 $0x27300, s1;
	s23 =	ssub.s32 $0x2, s1  }
0xb: {  	s8 =	sadd.s32 $0x5F200, s0;
	s16 =	simm.s32 @!p0 $0x7;
	s1 =	smul.u32 $0x138800, s1  }
0xc: {  	s12 =	sshrl.u32 s23, $0x1;
	s17 =	sshrl.u32 s11, $0x3;
	s20 =	sshrl.u32 s13, $0x2  }
0xd: {  	s13 =	simm.s32 $0x3;
	[dreg:$0x5] =	wrdreg s16;
	s3 =	sadd.s32 s3, s7  }
0xe: {  	s24 =	ssub.s32 s23, s12;
	s7 =	sadd.s32 s11, s9;
	s15 =	sadd.s32 s10, s17  }
0xf: {  	s11 =	sadd.s32 $0x58, s11;
	s17 =	simm.s32 $0x0;
	s3 =	sor.u32 s22, s3  }
0x10: {  	s25 =	sshrl.u32 s7, $0x3;
	s18 =	sadd.s32 $0x58, s7;
	s11 =	sshrl.u32 s11, $0x3  }
0x11: {  	[dreg:$0x7] =	wrdreg s15;
	s19 =	sadd.s32 $0x16, s15;
	s21 =	sadd.s32 $0x1B8, s7  }
0x12: {  	s22 =	smul.u32 $0x4E6, s14;
	s23 =	sadd.s32 $0x160, s7;
	s15 =	simm.s32 $0x6  }
0x13: {  	s3 =	sshrl.u32 s3, $0x3;
	s26 =	sadd.s32 s6, s25;
	s12 =	sshrl.u32 s18, $0x3  }
0x14: {  	s11 =	sadd.s32 s10, s11;
	[dreg:$0xb] =	wrdreg s19;
	s18 =	sadd.s32 s20, s2  }
0x15: {  	s25 =	sadd.s32 $0x108, s7;
	s7 =	simm.s32 $0x5B00;
	[dreg:$0x9] =	wrdreg s11  }
0x16: {  	s0 =	sadd.s32 s3, s0;
	s12 =	sadd.s32 s6, s12;
	[dreg:$0x6] =	wrdreg s26  }
0x17: {  	s9 =	sadd.s32 $0x16, s26;
	s3 =	smax.u32 s24, $0x1;
	[dreg:$0xf] =	wrdreg s25  }
0x18: {  	s11 =	sshrl.u32 s23, $0x3;
	s24 =	smul.u32 $0x2800, s14;
	[dreg:$0xe] =	wrdreg s18  }
0x19: {  	s20 =	sadd.s32 s22, s10;
	s25 =	simm.s32 $0x7;
	[dreg:$0x8] =	wrdreg s12  }
0x1a: {  	s10 =	simm.s32 $0x2;
	s14 =	simm.s32 $0x4;
	[dreg:$0xa] =	wrdreg s9  }
0x1b: {  	s0 =	sadd.s32 $0xAD400, s0;
	[dreg:$0xd] =	wrdreg s3;
	s3 =	simm.s32 $0x100  }
0x1c: {  	s12 =	simm.s32 $0x1;
	[dreg:$0xc] =	wrdreg s0;
	s0 =	sshrl.u32 s21, $0x3  }
0x1d: {  	s21 =	sadd.s32 s11, s6;
	s26 =	sadd.s32 s24, s1;
	s24 =	simm.s32 $0x300  }
0x1e: {  	s1 =	simm.s32 $0x280;
	s11 =	simm.s32 $0x5;
	s19 =	sadd.s32 s0, s6  }
0x1f: {  	v0 =	vimm.f32 $1.000000000e+00;
	[dreg:$0x10] =	wrdreg s26;
	s26 =	simm.s32 $0x8700;
	s0 =	simm.s32 $0x2F00  }
.LBB2_1:
0x20: {  	[dreg:$0x11] =	wrdreg s17  }
0x21: {  	s9 =	rddreg [dreg:$0x1]  }
0x22: {  	[tilespmem:s24], [sflag:$0x7] =	stream.linear.gather [hbm4b:s9+s4], $0x2800, $0x38;
	[tilespmem:$0x1E740] =	vst v63  }
0x23: {  	_ =	swait.ge [sflag:s25], $0x2800  }
0x24: {  	[sflag:s25] =	ssyncset.done $0x0  }
0x25: {  	s23 =	rddreg [dreg:$0x4];
	[sflag:s25] =	ssyncadd.s32 $0xFFFFD800  }
0x26: {  	[tilespmem:s26], [sflag:$0x7] =	stream.linear.gather [hbm4b:s23+s4], $0x2780, $0x38;
	[tilespmem:$0x1E740] =	vst v63  }
0x27: {  	p0 =	sne.s32 s16, $0x1;
	_ =	swait.ge [sflag:s25], $0x2780  }
.Ltmp0:
0x28: {  	[sflag:s25] =	ssyncset.done $0x0;
	(pc) =	sbr.rel @!p0 .LBB2_3-.Ltmp0, $4  }
0x29: {  	[sflag:s25] =	ssyncadd.s32 $0xFFFFD880  }
0x2a: {  	[spmem:s18] =	stream.linear.scatter [tilespmem:s24], [sflag:$0x7], $0x2800, $0x38;
	[tilespmem:$0x1E740] =	vst v63  }
0x2b: {  	_ =	swait.ge [sflag:s25], $0x2800  }
0x2c: {  	s17 =	sadd.s32 $0xFFFFFFFF, s16;
	s22 =	smov.u32 s18;
	[sflag:s25] =	ssyncset.done $0x0  }
.LBB2_2:
0x2d: {  	p1 =	sne.s32 s17, $0x1;
	[sflag:s25] =	ssyncadd.s32 $0xFFFFD800;
	s22 =	sadd.s32 $0x28000, s22  }
.Ltmp1:
0x2e: {  	s17 =	sadd.s32 $0xFFFFFFFF, s17;
	(pc) =	sbr.rel @p1 .LBB2_2-.Ltmp1, $4  }
0x2f: {  	_ = 	snop  }
0x30: {  	[spmem:s22] =	stream.linear.scatter [tilespmem:s24], [sflag:$0x7], $0x2800, $0x38;
	[tilespmem:$0x1E740] =	vst v63  }
0x31: {  	_ =	swait.ge [sflag:s25], $0x2800  }
0x32: {  	[sflag:s25] =	ssyncset.done $0x0  }
.LBB2_3:
0x33: {  	[sflag:s25] =	ssyncadd.s32 $0xFFFFD800  }
0x34: {  	[bflag:$0x0] =	sbarrier.arrive $0xFFFF  }
0x35: {  	s17 =	simm.s32 $0x0;
	s9 =	rddreg [dreg:$0x6]  }
0x36: {  	[tilespmem:s17], [sflag:$0x7] =	stream.linear.gather [hbm4b:s9+s17], $0x58, $0x38;
	[tilespmem:$0x1E740] =	vst v63  }
0x37: {  	_ =	swait.ge [sflag:s25], $0x58  }
0x38: {  	[sflag:s25] =	ssyncset.done $0x0  }
0x39: {  	s23 =	rddreg [dreg:$0x7];
	[sflag:s25] =	ssyncadd.s32 $0xFFFFFFA8  }
0x3a: {  	[tilespmem:s28], [sflag:$0x7] =	stream.linear.gather [hbm4b:s23+s17], $0x58, $0x38;
	[tilespmem:$0x1E740] =	vst v63  }
0x3b: {  	_ =	swait.ge [sflag:s25], $0x58  }
0x3c: {  	[sflag:s25] =	ssyncset.done $0x0  }
0x3d: {  	[sflag:s25] =	ssyncadd.s32 $0xFFFFFFA8  }
0x3e: {  	[tilespmem:s24], [sflag:$0x1] =	stream.indirect.gather [hbm4b:s5+s29], $0x80, s17, s29, $0xb8;
	[tilespmem:$0x1E740] =	vst v63  }
0x3f: {  	s16 =	rddreg [dreg:$0x8]  }
0x40: {  	[tilespmem:s30], [sflag:$0x7] =	stream.linear.gather [hbm4b:s16+s17], $0x58, $0x38;
	[tilespmem:$0x1E740] =	vst v63  }
0x41: {  	_ =	swait.ge [sflag:s25], $0x58  }
0x42: {  	[sflag:s25] =	ssyncset.done $0x0  }
0x43: {  	s18 =	rddreg [dreg:$0x9];
	[sflag:s25] =	ssyncadd.s32 $0xFFFFFFA8  }
0x44: {  	[tilespmem:s31], [sflag:$0x7] =	stream.linear.gather [hbm4b:s18+s17], $0x58, $0x38;
	[tilespmem:$0x1E740] =	vst v63  }
0x45: {  	_ =	swait.ge [sflag:s25], $0x58  }
0x46: {  	[sflag:s25] =	ssyncset.done $0x0  }
0x47: {  	[sflag:s25] =	ssyncadd.s32 $0xFFFFFFA8  }
0x48: {  	[tilespmem:s0], [sflag:$0x2] =	stream.indirect.gather [hbm4b:s5+s29], $0x80, s30, s29, $0xb8;
	[tilespmem:$0x1E740] =	vst v63  }
0x49: {  	s22 =	rddreg [dreg:$0xa]  }
0x4a: {  	[tilespmem:s3], [sflag:$0x7] =	stream.linear.gather [hbm4b:s22+s17], $0x58, $0x38;
	[tilespmem:$0x1E740] =	vst v63  }
0x4b: {  	_ =	swait.ge [sflag:s25], $0x58  }
0x4c: {  	[sflag:s25] =	ssyncset.done $0x0  }
0x4d: {  	s23 =	rddreg [dreg:$0xb];
	[sflag:s25] =	ssyncadd.s32 $0xFFFFFFA8  }
0x4e: {  	[tilespmem:s1], [sflag:$0x7] =	stream.linear.gather [hbm4b:s23+s17], $0x58, $0x38;
	[tilespmem:$0x1E740] =	vst v63  }
0x4f: {  	_ =	swait.ge [sflag:s25], $0x58  }
0x50: {  	[sflag:s25] =	ssyncset.done $0x0  }
0x51: {  	s22 =	rddreg [dreg:$0xf];
	[sflag:s25] =	ssyncadd.s32 $0xFFFFFFA8  }
0x52: {  	[tilespmem:s7], [sflag:$0x3] =	stream.indirect.gather [hbm4b:s5+s29], $0x80, s3, s29, $0xb8;
	[tilespmem:$0x1E740] =	vst v63  }
.LBB2_4:
0x53: {  	_ =	swait.ge [sflag:s12], $0x2C00  }
0x54: {  	[sflag:s12] =	ssyncset.done $0x0  }
0x55: {  	[sflag:s12] =	ssyncadd.s32 $0xFFFFD400  }
0x56: {  	[spmem:s2] =	stream.indirect.scatter.add.f32 [tilespmem:s24], [sflag:$0x7], $0x80, s28, s29, $0xb8;
	[tilespmem:$0x1E740] =	vst v63  }
0x57: {  	_ =	swait.ge [sflag:s25], $0x2C00  }
0x58: {  	[sflag:s25] =	ssyncset.done $0x0  }
0x59: {  	[sflag:s25] =	ssyncadd.s32 $0xFFFFD400  }
0x5a: {  	v1 =	vld [tilespmem:$0x180];
	_ =	sdelay $0x7  }
0x5b: {  	[tilespmem:v1+s26+$0x0] =	vst.idx.add.f32.msk $0xffff, v0  }
0x5c: {  	v1 =	vld [tilespmem:$0x190];
	_ =	sdelay $0x7  }
0x5d: {  	[tilespmem:v1+s26+$0x0] =	vst.idx.add.f32.msk $0xffff, v0  }
0x5e: {  	v1 =	vld [tilespmem:$0x1A0];
	_ =	sdelay $0x7  }
0x5f: {  	[tilespmem:v1+s26+$0x0] =	vst.idx.add.f32.msk $0xffff, v0  }
0x60: {  	v1 =	vld [tilespmem:$0x1B0];
	_ =	sdelay $0x7  }
0x61: {  	[tilespmem:v1+s26+$0x0] =	vst.idx.add.f32.msk $0xffff, v0  }
0x62: {  	v1 =	vld [tilespmem:$0x1C0];
	_ =	sdelay $0x5  }
0x63: {  	p1 =	seq.s32 s17, $0x4C5  }
0x64: {  	s23 =	sshrl.u32 @!p1 s22, $0x3  }
0x65: {  	s9 =	simm.s32 @!p1 $0x0;
	s23 =	sadd.s32 @!p1 s6, s23;
	[tilespmem:v1+s26+$0x0] =	vst.idx.add.f32.msk $0xffff, v0  }
0x66: {  	[tilespmem:s9], [sflag:$0x4] =	stream.linear.gather @!p1 [hbm4b:s23+s9], $0x58, $0x38;
	[tilespmem:$0x1E740] =	vst v63  }
0x67: {  	s23 =	sadd.s32 @!p1 s17, s20  }
0x68: {  	s16 =	simm.s32 @!p1 $0x180;
	s18 =	sadd.s32 @!p1 $0x21, s23  }
0x69: {  	[tilespmem:s16], [sflag:$0x4] =	stream.linear.gather @!p1 [hbm4b:s18+s9], $0x58, $0x38;
	[tilespmem:$0x1E740] =	vst v63  }
0x6a: {  	_ =	swait.ge [sflag:s10], $0x2C00  }
0x6b: {  	[sflag:s10] =	ssyncset.done $0x0  }
0x6c: {  	[sflag:s10] =	ssyncadd.s32 $0xFFFFD400  }
0x6d: {  	[spmem:s2] =	stream.indirect.scatter.add.f32 [tilespmem:s0], [sflag:$0x7], $0x80, s31, s29, $0xb8;
	[tilespmem:$0x1E740] =	vst v63  }
0x6e: {  	_ =	swait.ge [sflag:s25], $0x2C00  }
0x6f: {  	[sflag:s25] =	ssyncset.done $0x0  }
0x70: {  	[sflag:s25] =	ssyncadd.s32 $0xFFFFD400  }
0x71: {  	v1 =	vld [tilespmem:$0x200];
	_ =	sdelay $0x7  }
0x72: {  	[tilespmem:v1+s26+$0x0] =	vst.idx.add.f32.msk $0xffff, v0  }
0x73: {  	v1 =	vld [tilespmem:$0x210];
	_ =	sdelay $0x7  }
0x74: {  	[tilespmem:v1+s26+$0x0] =	vst.idx.add.f32.msk $0xffff, v0  }
0x75: {  	v1 =	vld [tilespmem:$0x220];
	_ =	sdelay $0x7  }
0x76: {  	[tilespmem:v1+s26+$0x0] =	vst.idx.add.f32.msk $0xffff, v0  }
0x77: {  	v1 =	vld [tilespmem:$0x230];
	_ =	sdelay $0x7  }
0x78: {  	[tilespmem:v1+s26+$0x0] =	vst.idx.add.f32.msk $0xffff, v0  }
0x79: {  	v1 =	vld [tilespmem:$0x240];
	_ =	sdelay $0x7  }
0x7a: {  	s16 =	sadd.s32 @!p1 s17, s21;
	s18 =	simm.s32 @!p1 $0x80;
	[tilespmem:v1+s26+$0x0] =	vst.idx.add.f32.msk $0xffff, v0  }
0x7b: {  	[tilespmem:s18], [sflag:$0x5] =	stream.linear.gather @!p1 [hbm4b:s16+s9], $0x58, $0x38;
	[tilespmem:$0x1E740] =	vst v63  }
0x7c: {  	s16 =	sadd.s32 @!p1 $0x2C, s23;
	s18 =	simm.s32 @!p1 $0x200  }
0x7d: {  	[tilespmem:s18], [sflag:$0x5] =	stream.linear.gather @!p1 [hbm4b:s16+s9], $0x58, $0x38;
	[tilespmem:$0x1E740] =	vst v63  }
0x7e: {  	_ =	swait.ge [sflag:s13], $0x2C00  }
0x7f: {  	[sflag:s13] =	ssyncset.done $0x0  }
0x80: {  	[sflag:s13] =	ssyncadd.s32 $0xFFFFD400  }
0x81: {  	[spmem:s2] =	stream.indirect.scatter.add.f32 [tilespmem:s7], [sflag:$0x7], $0x80, s1, s29, $0xb8;
	[tilespmem:$0x1E740] =	vst v63  }
0x82: {  	_ =	swait.ge [sflag:s25], $0x2C00  }
0x83: {  	[sflag:s25] =	ssyncset.done $0x0  }
0x84: {  	[sflag:s25] =	ssyncadd.s32 $0xFFFFD400  }
0x85: {  	v1 =	vld [tilespmem:$0x280];
	_ =	sdelay $0x7  }
0x86: {  	[tilespmem:v1+s26+$0x0] =	vst.idx.add.f32.msk $0xffff, v0  }
0x87: {  	v1 =	vld [tilespmem:$0x290];
	_ =	sdelay $0x7  }
0x88: {  	[tilespmem:v1+s26+$0x0] =	vst.idx.add.f32.msk $0xffff, v0  }
0x89: {  	v1 =	vld [tilespmem:$0x2A0];
	_ =	sdelay $0x7  }
0x8a: {  	[tilespmem:v1+s26+$0x0] =	vst.idx.add.f32.msk $0xffff, v0  }
0x8b: {  	v1 =	vld [tilespmem:$0x2B0];
	_ =	sdelay $0x7  }
0x8c: {  	[tilespmem:v1+s26+$0x0] =	vst.idx.add.f32.msk $0xffff, v0  }
0x8d: {  	v1 =	vld [tilespmem:$0x2C0];
	_ =	sdelay $0x3  }
.Ltmp2:
0x8e: {  	_ = 	snop;
	(pc) =	sbr.rel @p1 .LBB2_6-.Ltmp2, $2  }
0x8f: {  	_ =	sdelay $0x2  }
0x90: {  	[tilespmem:v1+s26+$0x0] =	vst.idx.add.f32.msk $0xffff, v0  }
0x91: {  	s9 =	sadd.s32 s17, s19;
	s23 =	sadd.s32 s17, s20  }
0x92: {  	[tilespmem:s3], [sflag:$0x6] =	stream.linear.gather [hbm4b:s9+s4], $0x58, $0x38;
	[tilespmem:$0x1E740] =	vst v63  }
0x93: {  	s9 =	sadd.s32 $0x37, s23  }
0x94: {  	[tilespmem:s1], [sflag:$0x6] =	stream.linear.gather [hbm4b:s9+s4], $0x58, $0x38;
	[tilespmem:$0x1E740] =	vst v63  }
0x95: {  	_ =	swait.ge [sflag:s14], $0x58  }
0x96: {  	[sflag:s14] =	ssyncset.done $0x0  }
0x97: {  	[sflag:s14] =	ssyncadd.s32 $0xFFFFFFA8  }
0x98: {  	_ =	swait.ge [sflag:s14], $0x58  }
0x99: {  	[sflag:s14] =	ssyncset.done $0x0  }
0x9a: {  	[sflag:s14] =	ssyncadd.s32 $0xFFFFFFA8  }
0x9b: {  	[tilespmem:s24], [sflag:$0x1] =	stream.indirect.gather [hbm4b:s5+s29], $0x80, s4, s29, $0xb8;
	[tilespmem:$0x1E740] =	vst v63  }
0x9c: {  	_ =	swait.ge [sflag:s11], $0x58  }
0x9d: {  	[sflag:s11] =	ssyncset.done $0x0  }
0x9e: {  	[sflag:s11] =	ssyncadd.s32 $0xFFFFFFA8  }
0x9f: {  	_ =	swait.ge [sflag:s11], $0x58  }
0xa0: {  	[sflag:s11] =	ssyncset.done $0x0  }
0xa1: {  	[sflag:s11] =	ssyncadd.s32 $0xFFFFFFA8  }
0xa2: {  	[tilespmem:s0], [sflag:$0x2] =	stream.indirect.gather [hbm4b:s5+s29], $0x80, s30, s29, $0xb8;
	[tilespmem:$0x1E740] =	vst v63  }
0xa3: {  	_ =	swait.ge [sflag:s15], $0x58  }
0xa4: {  	[sflag:s15] =	ssyncset.done $0x0  }
.Ltmp3:
0xa5: {  	[sflag:s15] =	ssyncadd.s32 $0xFFFFFFA8;
	(pc) =	sbr.rel .LBB2_4-.Ltmp3, $4  }
0xa6: {  	_ =	swait.ge [sflag:s15], $0x58  }
0xa7: {  	[sflag:s15] =	ssyncset.done $0x0  }
0xa8: {  	s17 =	sadd.s32 $0x21, s17;
	s22 =	sadd.s32 $0x108, s22;
	[sflag:s15] =	ssyncadd.s32 $0xFFFFFFA8  }
0xa9: {  	[tilespmem:s7], [sflag:$0x3] =	stream.indirect.gather [hbm4b:s5+s29], $0x80, s3, s29, $0xb8;
	[tilespmem:$0x1E740] =	vst v63  }
.LBB2_6:
0xaa: {  	[bflag:$0x0] =	sbarrier.arrive $0xFFFF  }
0xab: {  	s16 =	simm.s32 $0x400;
	s9 =	rddreg [dreg:$0xc]  }
0xac: {  	[hbm4b:s9+s30] =	stream.strided.scatter [tilespmem:s26], [sflag:$0x7], $0x2780, s16, s30, $0x38;
	[tilespmem:$0x1E740] =	vst v63  }
0xad: {  	_ =	swait.ge [sflag:s25], $0x2780  }
0xae: {  	[sflag:s25] =	ssyncset.done $0x0  }
0xaf: {  	s18 =	rddreg [dreg:$0xe];
	[sflag:s25] =	ssyncadd.s32 $0xFFFFD880  }
0xb0: {  	[tilespmem:s24], [sflag:$0x7] =	stream.linear.gather [spmem:s18], $0x2800, $0x38;
	[tilespmem:$0x1E740] =	vst v63  }
0xb1: {  	_ =	swait.ge [sflag:s25], $0x2800  }
0xb2: {  	s23 =	rddreg [dreg:$0x10]  }
0xb3: {  	[sflag:s25] =	ssyncset.done $0x0;
	s22 =	sshrl.u32 s23, $0x3  }
.Ltmp4:
0xb4: {  	[sflag:s25] =	ssyncadd.s32 $0xFFFFD800;
	s9 =	sadd.s32 s8, s22;
	(pc) =	sbr.rel @!p0 .LBB2_8-.Ltmp4, $4  }
0xb5: {  	[hbm4b:s9+s4] =	stream.linear.scatter [tilespmem:s24], [sflag:$0x7], $0x2800, $0x38;
	[tilespmem:$0x1E740] =	vst v63  }
0xb6: {  	_ =	swait.ge [sflag:s25], $0x2800  }
0xb7: {  	s16 =	rddreg [dreg:$0x5]  }
0xb8: {  	s22 =	smov.u32 s18;
	[sflag:s25] =	ssyncset.done $0x0;
	s17 =	sadd.s32 $0xFFFFFFFF, s16  }
.LBB2_7:
0xb9: {  	[sflag:s25] =	ssyncadd.s32 $0xFFFFD800;
	s22 =	sadd.s32 $0x28000, s22;
	s23 =	sadd.s32 $0x28000, s23  }
0xba: {  	[tilespmem:s24], [sflag:$0x7] =	stream.linear.gather [spmem:s22], $0x2800, $0x38;
	[tilespmem:$0x1E740] =	vst v63  }
0xbb: {  	p0 =	sne.s32 s17, $0x1;
	s17 =	sadd.s32 $0xFFFFFFFF, s17;
	_ =	swait.ge [sflag:s25], $0x2800  }
.Ltmp5:
0xbc: {  	s9 =	sshrl.u32 s23, $0x3;
	[sflag:s25] =	ssyncset.done $0x0;
	(pc) =	sbr.rel @p0 .LBB2_7-.Ltmp5, $4  }
0xbd: {  	s9 =	sadd.s32 s8, s9;
	[sflag:s25] =	ssyncadd.s32 $0xFFFFD800  }
0xbe: {  	[hbm4b:s9+s4] =	stream.linear.scatter [tilespmem:s24], [sflag:$0x7], $0x2800, $0x38;
	[tilespmem:$0x1E740] =	vst v63  }
0xbf: {  	_ =	swait.ge [sflag:s25], $0x2800  }
0xc0: {  	[sflag:s25] =	ssyncset.done $0x0  }
.LBB2_8:
0xc1: {  	s17 =	rddreg [dreg:$0x11]  }
0xc2: {  	s9 =	rddreg [dreg:$0xd];
	s17 =	sadd.s32 $0x1, s17  }
0xc3: {  	p0 =	sne.s32 s17, s9  }
.Ltmp6:
0xc4: {  	_ = 	snop;
	(pc) =	sbr.rel @p0 .LBB2_1-.Ltmp6, $2  }
0xc5: {  	_ =	sdelay $0x2  }
0xc6: {  	[sflag:s25] =	ssyncadd.s32 $0xFFFFD800  }
0xc7: {  	_ =	sfence.sel $0x180000  }
0xc8: {  	[bflag:$0x0] =	sbarrier.arrive $0xFFFF  }
0xc9: {  	_ =	strace $0x90000047  }
0xca: {  	s0 =	stileid.u32;
	[bflag:$0x2] =	sbarrier.arrive $0xFFFF  }
0xcb: {  	p0 =	sne.s32 s0, $0x0;
	s0 =	rddreg [dreg:$0x3]  }
0xcc: {  	s0 =	sadd.s32 @!p0 $0x100000, s0  }
0xcd: {  	[sflag:s0] =	ssyncadd.tile.s32 @!p0 $0x1;
	_ =	shalt  }
.Lfunc_end2:
_tile_overlayer_lowered:
.L_overlay_start_2:
0xce: {  	(tag) =	ssettag $0x2  }
0xcf: {  	s0 =	rddreg [dreg:$0x0];
	s2 =	stileid.u32  }
0xd0: {  	s1 =	rddreg [dreg:$0x1];
	p0 =	sne.s32 s2, $0x0  }
0xd1: {  	s3 =	rddreg [dreg:$0x2];
	[bflag:$0x3] =	sbarrier.arrive $0xFFFF;
	s2 =	simm.s32 @!p0 $0x1C07  }
0xd2: {  	[timem:s3], [sflag:s2] =	dma.local @!p0 [hbm:s0], s1  }
0xd3: {  	s0 =	simm.s32 @!p0 $0x7  }
0xd4: {  	_ =	swait.ge @!p0 [sflag:s0], s1  }
0xd5: {  	s1 =	ssub.s32 @!p0 $0x0, s1;
	[sflag:s0] =	ssyncset.done @!p0 $0x0  }
0xd6: {  	[sflag:s0] =	ssyncadd.s32 @!p0 s1  }
0xd7: {  	[bflag:$0x3] =	sbarrier.arrive $0xFFFF  }
0xd8: {  	_ =	shalt  }

</sc_bundles>
